<compile_context>
chip_gen: v7x
topology: tpu7x:2x2x1
jax: 0.10.2.dev20260603
libtpu: 0.0.44.dev20260713+nightly
codegen_flags: <defaults>
</compile_context>

<pallas_src>
import jax
import jax.numpy as jnp
from jax import lax
from jax.experimental import pallas as pl
from jax.experimental.pallas import tpu as pltpu
from jax.experimental.pallas import tpu_sc as plsc

HEADS = 16
HW = 32
NREL = (2 * HW - 1) ** 2
QBLK = 2 * HW - 1
STRIP = QBLK * HW
TPAD = 4096


def _body(tab_hbm, out_hbm, tab_v, qr_v, sem):
    cid = lax.axis_index("c")
    sid = lax.axis_index("s")
    wid = sid * 2 + cid
    h = wid // 2
    half = wid % 2

    pltpu.sync_copy(tab_hbm.at[h], tab_v)

    q_lo = (1 - half) * 16
    lane_lo = 32 * q_lo

    lane16 = lax.iota(jnp.int32, 16)

    def build_row(iw, _):
        def build_vreg(vb, _):
            lanes = lane_lo + vb * 16 + lane16
            q = lanes // 32
            jw = lanes % 32
            idx = (62 - q) * 63 + (31 + iw) - jw
            vals = plsc.load_gather(tab_v, [idx])
            qr_v[iw, pl.ds(lane_lo + vb * 16, 16)] = vals
            return 0
        return lax.fori_loop(0, 94, build_vreg, 0)

    lax.fori_loop(0, 32, build_row, 0)

    copies = []
    for t in range(16):
        ih = half * 16 + t
        src = qr_v.at[:, pl.ds(32 * (31 - ih), 1024)]
        dst = out_hbm.at[h, pl.ds(32 * ih, 32), :]
        copies.append(pltpu.async_copy(src, dst, sem))
    for c in copies:
        c.wait()


def kernel(table, index_map):
    del index_map
    tab_t = jnp.zeros((HEADS, TPAD), jnp.float32).at[:, :NREL].set(table.T)

    mesh = plsc.VectorSubcoreMesh(core_axis_name="c", subcore_axis_name="s")
    run = pl.kernel(
        _body,
        out_type=jax.ShapeDtypeStruct((HEADS, HW * HW, HW * HW), jnp.float32),
        mesh=mesh,
        scratch_types=[
            pltpu.VMEM((TPAD,), jnp.float32),
            pltpu.VMEM((HW, STRIP), jnp.float32),
            pltpu.SemaphoreType.DMA,
        ],
        compiler_params=pltpu.CompilerParams(use_tc_tiling_on_sc=False, needs_layout_passes=False),
    )
    return run(tab_t)

# --- scband reference (transcript-rebuilt; emitter-appended) ---
"""Pipeline reference for scband-rel-pos-bias2-d-40089224740935 (READ-ONLY COPY).

The authoritative reference and input builder live on the scoring server;
editing this copy changes nothing except your own understanding.
"""

import jax, jax.numpy as jnp
import numpy as np

HEADS = 16
HEIGHT = 32
WIDTH = 32


def _build_index_map(height, width):
    coords_h = np.arange(height)
    coords_w = np.arange(width)
    coords = np.stack(np.meshgrid(coords_h, coords_w, indexing='ij'))
    coords_flat = coords.reshape(2, -1)
    rel = coords_flat[:, :, None] - coords_flat[:, None, :]
    rel = rel.copy()
    rel[0] += height - 1
    rel[1] += width - 1
    index_map = rel[0] * (2 * width - 1) + rel[1]
    return index_map.astype(np.int32)


def setup_inputs(seed: int = 0) -> dict:
    key = jax.random.key(seed)
    num_rel = (2 * HEIGHT - 1) * (2 * WIDTH - 1)
    # trunc_normal_(std=0.02) approximated by normal * 0.02 (values clipped to +-2 std)
    table = jnp.clip(jax.random.normal(key, (num_rel, HEADS), dtype=jnp.float32), -2.0, 2.0) * 0.02
    index_map = jnp.asarray(_build_index_map(HEIGHT, WIDTH))
    return {"table": table, "index_map": index_map}


def reference(table, index_map):
    n = index_map.shape[0]
    bias = jnp.take(table, index_map.reshape(-1), axis=0)
    bias = bias.reshape(n, n, -1)
    return jnp.transpose(bias, (2, 0, 1))

if __name__ == "__main__":
    import jax
    _d = setup_inputs()
    print(jax.jit(kernel)(*tuple(_d.values())))

</pallas_src>

<mosaic_0001>
#map = affine_map<(d0, d1) -> (0, 0)>
#map1 = affine_map<(d0, d1) -> (0, 0, 0)>
module attributes {stable_mosaic.version = 14 : i64} {
  func.func @_body(%arg0: i32, %arg1: i32, %arg2: memref<16x4096xf32, #tpu.memory_space<hbm>>, %arg3: memref<16x1024x1024xf32, #tpu.memory_space<hbm>>, %arg4: memref<4096xf32, #tpu.memory_space<vmem>>, %arg5: memref<32x2016xf32, #tpu.memory_space<vmem>>, %arg6: memref<!tpu.dma_semaphore, #tpu.memory_space<semaphore_mem>>) attributes {dimension_semantics = [#tpu.dimension_semantics<core_parallel>, #tpu.dimension_semantics<subcore_parallel>], iteration_bounds = array<i64: 2, 16>, scalar_prefetch = 0 : i64, scratch_operands = 3 : i64, tpu.core_type = #tpu.core_type<sc_vector_subcore>, window_params = [{transform_indices = #map}, {transform_indices = #map1}]} {
    %mul3A = arith.constant 2 : i32
    %mul3A_0 = arith.muli %arg1, %mul3A : i32
    %add3A = arith.addi %mul3A_0, %arg0 : i32
    %jit3A = arith.constant 2 : i32
    %div3A = arith.divsi %add3A, %jit3A : i32
    %sign3A = arith.constant 0 : i32
    %sign3A_1 = arith.cmpi sgt, %add3A, %sign3A : i32
    %sign3A_2 = arith.extui %sign3A_1 : i1 to i32
    %sign3A_3 = arith.constant 0 : i32
    %sign3A_4 = arith.cmpi slt, %add3A, %sign3A_3 : i32
    %sign3A_5 = arith.extui %sign3A_4 : i1 to i32
    %sign3A_6 = arith.subi %sign3A_2, %sign3A_5 : i32
    %sign3A_7 = arith.constant 0 : i32
    %sign3A_8 = arith.cmpi sgt, %jit3A, %sign3A_7 : i32
    %sign3A_9 = arith.extui %sign3A_8 : i1 to i32
    %sign3A_10 = arith.constant 0 : i32
    %sign3A_11 = arith.cmpi slt, %jit3A, %sign3A_10 : i32
    %sign3A_12 = arith.extui %sign3A_11 : i1 to i32
    %sign3A_13 = arith.subi %sign3A_9, %sign3A_12 : i32
    %ne3A = arith.cmpi ne, %sign3A_6, %sign3A_13 : i32
    %rem3A = arith.remsi %add3A, %jit3A : i32
    %ne3A_14 = arith.constant 0 : i32
    %ne3A_15 = arith.cmpi ne, %rem3A, %ne3A_14 : i32
    %and3A = arith.andi %ne3A, %ne3A_15 : i1
    %sub3A = arith.constant 1 : i32
    %sub3A_16 = arith.subi %div3A, %sub3A : i32
    %select_n3A = arith.select %and3A, %sub3A_16, %div3A : i32
    %jit3A_17 = arith.constant 2 : i32
    %eq3A = arith.constant 0 : i32
    %eq3A_18 = arith.cmpi eq, %jit3A_17, %eq3A : i32
    %jit3A_19 = arith.constant 1 : i32
    %select_n3A_20 = arith.select %eq3A_18, %jit3A_19, %jit3A_17 : i32
    %rem3A_21 = arith.remsi %add3A, %select_n3A_20 : i32
    %ne3A_22 = arith.constant 0 : i32
    %ne3A_23 = arith.cmpi ne, %rem3A_21, %ne3A_22 : i32
    %lt3A = arith.constant 0 : i32
    %lt3A_24 = arith.cmpi slt, %rem3A_21, %lt3A : i32
    %lt3A_25 = arith.constant 0 : i32
    %lt3A_26 = arith.cmpi slt, %select_n3A_20, %lt3A_25 : i32
    %ne3A_27 = arith.xori %lt3A_24, %lt3A_26 : i1
    %and3A_28 = arith.andi %ne3A_27, %ne3A_23 : i1
    %add3A_29 = arith.addi %rem3A_21, %select_n3A_20 : i32
    %select_n3A_30 = arith.select %and3A_28, %add3A_29, %rem3A_21 : i32
    "tpu.region"() ({
      %run_scoped3A = tpu.sem_alloc : memref<!tpu.dma_semaphore, #tpu.memory_space<semaphore_mem>>
      %dma_start3A_521 = arith.constant 0 : i32
      %dma_start3A_522 = tpu.memref_slice %arg2[%select_n3A, %dma_start3A_521] : memref<16x4096xf32, #tpu.memory_space<hbm>> -> memref<1x4096xf32, #tpu.memory_space<hbm>>
      %dma_start3A_523 = tpu.memref_squeeze %dma_start3A_522 : memref<1x4096xf32, #tpu.memory_space<hbm>> -> memref<4096xf32, #tpu.memory_space<hbm>>
      %dma_start3A_524 = arith.constant 0 : i32
      %dma_start3A_525 = tpu.memref_slice %arg2[%select_n3A, %dma_start3A_524] : memref<16x4096xf32, #tpu.memory_space<hbm>> -> memref<1x4096xf32, #tpu.memory_space<hbm>>
      %dma_start3A_526 = tpu.memref_squeeze %dma_start3A_525 : memref<1x4096xf32, #tpu.memory_space<hbm>> -> memref<4096xf32, #tpu.memory_space<hbm>>
      tpu.enqueue_dma source(%dma_start3A_526 : memref<4096xf32, #tpu.memory_space<hbm>>) target(%arg4 : memref<4096xf32, #tpu.memory_space<vmem>>) target_semaphore(%run_scoped3A : memref<!tpu.dma_semaphore, #tpu.memory_space<semaphore_mem>>)
      %dma_wait3A_527 = arith.constant 0 : i32
      %dma_wait3A_528 = tpu.memref_slice %arg2[%select_n3A, %dma_wait3A_527] : memref<16x4096xf32, #tpu.memory_space<hbm>> -> memref<1x4096xf32, #tpu.memory_space<hbm>>
      %dma_wait3A_529 = tpu.memref_squeeze %dma_wait3A_528 : memref<1x4096xf32, #tpu.memory_space<hbm>> -> memref<4096xf32, #tpu.memory_space<hbm>>
      %dma_wait3A_530 = arith.constant 0 : i32
      %dma_wait3A_531 = tpu.memref_slice %arg2[%select_n3A, %dma_wait3A_530] : memref<16x4096xf32, #tpu.memory_space<hbm>> -> memref<1x4096xf32, #tpu.memory_space<hbm>>
      %dma_wait3A_532 = tpu.memref_squeeze %dma_wait3A_531 : memref<1x4096xf32, #tpu.memory_space<hbm>> -> memref<4096xf32, #tpu.memory_space<hbm>>
      tpu.wait_dma2 semaphore(%run_scoped3A : memref<!tpu.dma_semaphore, #tpu.memory_space<semaphore_mem>>) src(%dma_wait3A_532 : memref<4096xf32, #tpu.memory_space<hbm>>) dst(%arg4 : memref<4096xf32, #tpu.memory_space<vmem>>)
      tpu.yield
    }) : () -> ()
    %sub3A_31 = arith.constant 1 : i32
    %sub3A_32 = arith.subi %sub3A_31, %select_n3A_30 : i32
    %mul3A_33 = arith.constant 16 : i32
    %mul3A_34 = arith.muli %sub3A_32, %mul3A_33 : i32
    %mul3A_35 = arith.constant 32 : i32
    %mul3A_36 = arith.muli %mul3A_35, %mul3A_34 : i32
    %iota3A = tpu.iota {dimensions = array<i32: 0>} : vector<16xi32>
    %scan3A = arith.constant 0 : i32
    %scan3A_37 = arith.constant 0 : i32
    %scan3A_38 = arith.constant 32 : i32
    %scan3A_39 = arith.addi %scan3A_37, %scan3A_38 : i32
    %scan3A_40 = arith.constant 1 : i32
    %scan3A_41 = scf.for %scan3A_521 = %scan3A_37 to %scan3A_39 step %scan3A_40 iter_args(%scan3A_522 = %scan3A) -> (i32)  : i32 {
      %scan3A_523 = arith.constant 0 : i32
      %scan3A_524 = arith.constant 0 : i32
      %scan3A_525 = arith.constant 94 : i32
      %scan3A_526 = arith.addi %scan3A_524, %scan3A_525 : i32
      %scan3A_527 = arith.constant 1 : i32
      %scan3A_528 = scf.for %scan3A_530 = %scan3A_524 to %scan3A_526 step %scan3A_527 iter_args(%scan3A_531 = %scan3A_523) -> (i32)  : i32 {
        %mul3A_532 = arith.constant 16 : i32
        %mul3A_533 = arith.muli %scan3A_530, %mul3A_532 : i32
        %add3A_534 = arith.addi %mul3A_36, %mul3A_533 : i32
        %add3A_535 = vector.broadcast %add3A_534 : i32 to vector<16xi32>
        %add3A_536 = arith.addi %add3A_535, %iota3A : vector<16xi32>
        %jit3A_537 = arith.constant 32 : i32
        %div3A_538 = vector.broadcast %jit3A_537 : i32 to vector<16xi32>
        %div3A_539 = arith.divsi %add3A_536, %div3A_538 : vector<16xi32>
        %sign3A_540 = arith.constant 0 : i32
        %sign3A_541 = vector.broadcast %sign3A_540 : i32 to vector<16xi32>
        %sign3A_542 = arith.cmpi sgt, %add3A_536, %sign3A_541 : vector<16xi32>
        %sign3A_543 = arith.extui %sign3A_542 : vector<16xi1> to vector<16xi32>
        %sign3A_544 = arith.constant 0 : i32
        %sign3A_545 = vector.broadcast %sign3A_544 : i32 to vector<16xi32>
        %sign3A_546 = arith.cmpi slt, %add3A_536, %sign3A_545 : vector<16xi32>
        %sign3A_547 = arith.extui %sign3A_546 : vector<16xi1> to vector<16xi32>
        %sign3A_548 = arith.subi %sign3A_543, %sign3A_547 : vector<16xi32>
        %sign3A_549 = arith.constant 0 : i32
        %sign3A_550 = arith.cmpi sgt, %jit3A_537, %sign3A_549 : i32
        %sign3A_551 = arith.extui %sign3A_550 : i1 to i32
        %sign3A_552 = arith.constant 0 : i32
        %sign3A_553 = arith.cmpi slt, %jit3A_537, %sign3A_552 : i32
        %sign3A_554 = arith.extui %sign3A_553 : i1 to i32
        %sign3A_555 = arith.subi %sign3A_551, %sign3A_554 : i32
        %ne3A_556 = vector.broadcast %sign3A_555 : i32 to vector<16xi32>
        %ne3A_557 = arith.cmpi ne, %sign3A_548, %ne3A_556 : vector<16xi32>
        %rem3A_558 = vector.broadcast %jit3A_537 : i32 to vector<16xi32>
        %rem3A_559 = arith.remsi %add3A_536, %rem3A_558 : vector<16xi32>
        %ne3A_560 = arith.constant 0 : i32
        %ne3A_561 = vector.broadcast %ne3A_560 : i32 to vector<16xi32>
        %ne3A_562 = arith.cmpi ne, %rem3A_559, %ne3A_561 : vector<16xi32>
        %and3A_563 = arith.andi %ne3A_557, %ne3A_562 : vector<16xi1>
        %sub3A_564 = arith.constant 1 : i32
        %sub3A_565 = vector.broadcast %sub3A_564 : i32 to vector<16xi32>
        %sub3A_566 = arith.subi %div3A_539, %sub3A_565 : vector<16xi32>
        %select_n3A_567 = arith.select %and3A_563, %sub3A_566, %div3A_539 : vector<16xi1>, vector<16xi32>
        %jit3A_568 = arith.constant 32 : i32
        %eq3A_569 = arith.constant 0 : i32
        %eq3A_570 = arith.cmpi eq, %jit3A_568, %eq3A_569 : i32
        %jit3A_571 = arith.constant 1 : i32
        %select_n3A_572 = arith.select %eq3A_570, %jit3A_571, %jit3A_568 : i32
        %rem3A_573 = vector.broadcast %select_n3A_572 : i32 to vector<16xi32>
        %rem3A_574 = arith.remsi %add3A_536, %rem3A_573 : vector<16xi32>
        %ne3A_575 = arith.constant 0 : i32
        %ne3A_576 = vector.broadcast %ne3A_575 : i32 to vector<16xi32>
        %ne3A_577 = arith.cmpi ne, %rem3A_574, %ne3A_576 : vector<16xi32>
        %lt3A_578 = arith.constant 0 : i32
        %lt3A_579 = vector.broadcast %lt3A_578 : i32 to vector<16xi32>
        %lt3A_580 = arith.cmpi slt, %rem3A_574, %lt3A_579 : vector<16xi32>
        %lt3A_581 = arith.constant 0 : i32
        %lt3A_582 = arith.cmpi slt, %select_n3A_572, %lt3A_581 : i32
        %ne3A_583 = vector.broadcast %lt3A_582 : i1 to vector<16xi1>
        %ne3A_584 = vector.broadcast %ne3A_583 : vector<16xi1> to vector<16xi1>
        %ne3A_585 = arith.xori %lt3A_580, %ne3A_584 : vector<16xi1>
        %and3A_586 = arith.andi %ne3A_585, %ne3A_577 : vector<16xi1>
        %add3A_587 = vector.broadcast %select_n3A_572 : i32 to vector<16xi32>
        %add3A_588 = arith.addi %rem3A_574, %add3A_587 : vector<16xi32>
        %select_n3A_589 = arith.select %and3A_586, %add3A_588, %rem3A_574 : vector<16xi1>, vector<16xi32>
        %sub3A_590 = arith.constant 62 : i32
        %sub3A_591 = vector.broadcast %sub3A_590 : i32 to vector<16xi32>
        %sub3A_592 = arith.subi %sub3A_591, %select_n3A_567 : vector<16xi32>
        %mul3A_593 = arith.constant 63 : i32
        %mul3A_594 = vector.broadcast %mul3A_593 : i32 to vector<16xi32>
        %mul3A_595 = arith.muli %sub3A_592, %mul3A_594 : vector<16xi32>
        %add3A_596 = arith.constant 31 : i32
        %add3A_597 = arith.addi %add3A_596, %scan3A_521 : i32
        %add3A_598 = vector.broadcast %add3A_597 : i32 to vector<16xi32>
        %add3A_599 = arith.addi %mul3A_595, %add3A_598 : vector<16xi32>
        %sub3A_600 = arith.subi %add3A_599, %select_n3A_589 : vector<16xi32>
        %gather3A = tpu.vector_load_idx %arg4[%sub3A_600] : memref<4096xf32, #tpu.memory_space<vmem>>[vector<16xi32>], vector<16xf32>,
        %mul3A_601 = arith.constant 16 : i32
        %mul3A_602 = arith.muli %scan3A_530, %mul3A_601 : i32
        %add3A_603 = arith.addi %mul3A_36, %mul3A_602 : i32
        %swap3A = arith.index_cast %scan3A_521 : i32 to index
        %swap3A_604 = arith.index_cast %add3A_603 : i32 to index
        %swap3A_605 = tpu.vector_load %arg5[%swap3A, %swap3A_604] {strides = array<i32>} : memref<32x2016xf32, #tpu.memory_space<vmem>>, vector<16xf32>,
        tpu.vector_store %arg5[%swap3A, %swap3A_604], %gather3A {strides = array<i32>} : memref<32x2016xf32, #tpu.memory_space<vmem>>, vector<16xf32>,
        %scan3A_606 = arith.constant 0 : i32
        scf.yield %scan3A_606 : i32
      }
      %scan3A_529 = arith.constant 94 : i32
      scf.yield %scan3A_528 : i32
    }
    %scan3A_42 = arith.constant 32 : i32
    %mul3A_43 = arith.constant 16 : i32
    %mul3A_44 = arith.muli %select_n3A_30, %mul3A_43 : i32
    %add3A_45 = arith.constant 0 : i32
    %add3A_46 = arith.addi %mul3A_44, %add3A_45 : i32
    %sub3A_47 = arith.constant 31 : i32
    %sub3A_48 = arith.subi %sub3A_47, %add3A_46 : i32
    %mul3A_49 = arith.constant 32 : i32
    %mul3A_50 = arith.muli %mul3A_49, %sub3A_48 : i32
    %mul3A_51 = arith.constant 32 : i32
    %mul3A_52 = arith.muli %mul3A_51, %add3A_46 : i32
    %dma_start3A = arith.constant 0 : i32
    %dma_start3A_53 = tpu.memref_slice %arg5[%dma_start3A, %mul3A_50] : memref<32x2016xf32, #tpu.memory_space<vmem>> -> memref<32x1024xf32, #tpu.memory_space<vmem>>
    %dma_start3A_54 = arith.constant 0 : i32
    %dma_start3A_55 = tpu.memref_slice %arg3[%select_n3A, %mul3A_52, %dma_start3A_54] : memref<16x1024x1024xf32, #tpu.memory_space<hbm>> -> memref<1x32x1024xf32, #tpu.memory_space<hbm>>
    %dma_start3A_56 = tpu.memref_squeeze %dma_start3A_55 : memref<1x32x1024xf32, #tpu.memory_space<hbm>> -> memref<32x1024xf32, #tpu.memory_space<hbm>>
    %dma_start3A_57 = arith.constant 0 : i32
    %dma_start3A_58 = tpu.memref_slice %arg3[%select_n3A, %mul3A_52, %dma_start3A_57] : memref<16x1024x1024xf32, #tpu.memory_space<hbm>> -> memref<1x32x1024xf32, #tpu.memory_space<hbm>>
    %dma_start3A_59 = tpu.memref_squeeze %dma_start3A_58 : memref<1x32x1024xf32, #tpu.memory_space<hbm>> -> memref<32x1024xf32, #tpu.memory_space<hbm>>
    %dma_start3A_60 = arith.constant 0 : i32
    %dma_start3A_61 = tpu.memref_slice %arg5[%dma_start3A_60, %mul3A_50] : memref<32x2016xf32, #tpu.memory_space<vmem>> -> memref<32x1024xf32, #tpu.memory_space<vmem>>
    tpu.enqueue_dma source(%dma_start3A_61 : memref<32x1024xf32, #tpu.memory_space<vmem>>) target(%dma_start3A_59 : memref<32x1024xf32, #tpu.memory_space<hbm>>) target_semaphore(%arg6 : memref<!tpu.dma_semaphore, #tpu.memory_space<semaphore_mem>>)
    %mul3A_62 = arith.constant 16 : i32
    %mul3A_63 = arith.muli %select_n3A_30, %mul3A_62 : i32
    %add3A_64 = arith.constant 1 : i32
    %add3A_65 = arith.addi %mul3A_63, %add3A_64 : i32
    %sub3A_66 = arith.constant 31 : i32
    %sub3A_67 = arith.subi %sub3A_66, %add3A_65 : i32
    %mul3A_68 = arith.constant 32 : i32
    %mul3A_69 = arith.muli %mul3A_68, %sub3A_67 : i32
    %mul3A_70 = arith.constant 32 : i32
    %mul3A_71 = arith.muli %mul3A_70, %add3A_65 : i32
    %dma_start3A_72 = arith.constant 0 : i32
    %dma_start3A_73 = tpu.memref_slice %arg5[%dma_start3A_72, %mul3A_69] : memref<32x2016xf32, #tpu.memory_space<vmem>> -> memref<32x1024xf32, #tpu.memory_space<vmem>>
    %dma_start3A_74 = arith.constant 0 : i32
    %dma_start3A_75 = tpu.memref_slice %arg3[%select_n3A, %mul3A_71, %dma_start3A_74] : memref<16x1024x1024xf32, #tpu.memory_space<hbm>> -> memref<1x32x1024xf32, #tpu.memory_space<hbm>>
    %dma_start3A_76 = tpu.memref_squeeze %dma_start3A_75 : memref<1x32x1024xf32, #tpu.memory_space<hbm>> -> memref<32x1024xf32, #tpu.memory_space<hbm>>
    %dma_start3A_77 = arith.constant 0 : i32
    %dma_start3A_78 = tpu.memref_slice %arg3[%select_n3A, %mul3A_71, %dma_start3A_77] : memref<16x1024x1024xf32, #tpu.memory_space<hbm>> -> memref<1x32x1024xf32, #tpu.memory_space<hbm>>
    %dma_start3A_79 = tpu.memref_squeeze %dma_start3A_78 : memref<1x32x1024xf32, #tpu.memory_space<hbm>> -> memref<32x1024xf32, #tpu.memory_space<hbm>>
    %dma_start3A_80 = arith.constant 0 : i32
    %dma_start3A_81 = tpu.memref_slice %arg5[%dma_start3A_80, %mul3A_69] : memref<32x2016xf32, #tpu.memory_space<vmem>> -> memref<32x1024xf32, #tpu.memory_space<vmem>>
    tpu.enqueue_dma source(%dma_start3A_81 : memref<32x1024xf32, #tpu.memory_space<vmem>>) target(%dma_start3A_79 : memref<32x1024xf32, #tpu.memory_space<hbm>>) target_semaphore(%arg6 : memref<!tpu.dma_semaphore, #tpu.memory_space<semaphore_mem>>)
    %mul3A_82 = arith.constant 16 : i32
    %mul3A_83 = arith.muli %select_n3A_30, %mul3A_82 : i32
    %add3A_84 = arith.constant 2 : i32
    %add3A_85 = arith.addi %mul3A_83, %add3A_84 : i32
    %sub3A_86 = arith.constant 31 : i32
    %sub3A_87 = arith.subi %sub3A_86, %add3A_85 : i32
    %mul3A_88 = arith.constant 32 : i32
    %mul3A_89 = arith.muli %mul3A_88, %sub3A_87 : i32
    %mul3A_90 = arith.constant 32 : i32
    %mul3A_91 = arith.muli %mul3A_90, %add3A_85 : i32
    %dma_start3A_92 = arith.constant 0 : i32
    %dma_start3A_93 = tpu.memref_slice %arg5[%dma_start3A_92, %mul3A_89] : memref<32x2016xf32, #tpu.memory_space<vmem>> -> memref<32x1024xf32, #tpu.memory_space<vmem>>
    %dma_start3A_94 = arith.constant 0 : i32
    %dma_start3A_95 = tpu.memref_slice %arg3[%select_n3A, %mul3A_91, %dma_start3A_94] : memref<16x1024x1024xf32, #tpu.memory_space<hbm>> -> memref<1x32x1024xf32, #tpu.memory_space<hbm>>
    %dma_start3A_96 = tpu.memref_squeeze %dma_start3A_95 : memref<1x32x1024xf32, #tpu.memory_space<hbm>> -> memref<32x1024xf32, #tpu.memory_space<hbm>>
    %dma_start3A_97 = arith.constant 0 : i32
    %dma_start3A_98 = tpu.memref_slice %arg3[%select_n3A, %mul3A_91, %dma_start3A_97] : memref<16x1024x1024xf32, #tpu.memory_space<hbm>> -> memref<1x32x1024xf32, #tpu.memory_space<hbm>>
    %dma_start3A_99 = tpu.memref_squeeze %dma_start3A_98 : memref<1x32x1024xf32, #tpu.memory_space<hbm>> -> memref<32x1024xf32, #tpu.memory_space<hbm>>
    %dma_start3A_100 = arith.constant 0 : i32
    %dma_start3A_101 = tpu.memref_slice %arg5[%dma_start3A_100, %mul3A_89] : memref<32x2016xf32, #tpu.memory_space<vmem>> -> memref<32x1024xf32, #tpu.memory_space<vmem>>
    tpu.enqueue_dma source(%dma_start3A_101 : memref<32x1024xf32, #tpu.memory_space<vmem>>) target(%dma_start3A_99 : memref<32x1024xf32, #tpu.memory_space<hbm>>) target_semaphore(%arg6 : memref<!tpu.dma_semaphore, #tpu.memory_space<semaphore_mem>>)
    %mul3A_102 = arith.constant 16 : i32
    %mul3A_103 = arith.muli %select_n3A_30, %mul3A_102 : i32
    %add3A_104 = arith.constant 3 : i32
    %add3A_105 = arith.addi %mul3A_103, %add3A_104 : i32
    %sub3A_106 = arith.constant 31 : i32
    %sub3A_107 = arith.subi %sub3A_106, %add3A_105 : i32
    %mul3A_108 = arith.constant 32 : i32
    %mul3A_109 = arith.muli %mul3A_108, %sub3A_107 : i32
    %mul3A_110 = arith.constant 32 : i32
    %mul3A_111 = arith.muli %mul3A_110, %add3A_105 : i32
    %dma_start3A_112 = arith.constant 0 : i32
    %dma_start3A_113 = tpu.memref_slice %arg5[%dma_start3A_112, %mul3A_109] : memref<32x2016xf32, #tpu.memory_space<vmem>> -> memref<32x1024xf32, #tpu.memory_space<vmem>>
    %dma_start3A_114 = arith.constant 0 : i32
    %dma_start3A_115 = tpu.memref_slice %arg3[%select_n3A, %mul3A_111, %dma_start3A_114] : memref<16x1024x1024xf32, #tpu.memory_space<hbm>> -> memref<1x32x1024xf32, #tpu.memory_space<hbm>>
    %dma_start3A_116 = tpu.memref_squeeze %dma_start3A_115 : memref<1x32x1024xf32, #tpu.memory_space<hbm>> -> memref<32x1024xf32, #tpu.memory_space<hbm>>
    %dma_start3A_117 = arith.constant 0 : i32
    %dma_start3A_118 = tpu.memref_slice %arg3[%select_n3A, %mul3A_111, %dma_start3A_117] : memref<16x1024x1024xf32, #tpu.memory_space<hbm>> -> memref<1x32x1024xf32, #tpu.memory_space<hbm>>
    %dma_start3A_119 = tpu.memref_squeeze %dma_start3A_118 : memref<1x32x1024xf32, #tpu.memory_space<hbm>> -> memref<32x1024xf32, #tpu.memory_space<hbm>>
    %dma_start3A_120 = arith.constant 0 : i32
    %dma_start3A_121 = tpu.memref_slice %arg5[%dma_start3A_120, %mul3A_109] : memref<32x2016xf32, #tpu.memory_space<vmem>> -> memref<32x1024xf32, #tpu.memory_space<vmem>>
    tpu.enqueue_dma source(%dma_start3A_121 : memref<32x1024xf32, #tpu.memory_space<vmem>>) target(%dma_start3A_119 : memref<32x1024xf32, #tpu.memory_space<hbm>>) target_semaphore(%arg6 : memref<!tpu.dma_semaphore, #tpu.memory_space<semaphore_mem>>)
    %mul3A_122 = arith.constant 16 : i32
    %mul3A_123 = arith.muli %select_n3A_30, %mul3A_122 : i32
    %add3A_124 = arith.constant 4 : i32
    %add3A_125 = arith.addi %mul3A_123, %add3A_124 : i32
    %sub3A_126 = arith.constant 31 : i32
    %sub3A_127 = arith.subi %sub3A_126, %add3A_125 : i32
    %mul3A_128 = arith.constant 32 : i32
    %mul3A_129 = arith.muli %mul3A_128, %sub3A_127 : i32
    %mul3A_130 = arith.constant 32 : i32
    %mul3A_131 = arith.muli %mul3A_130, %add3A_125 : i32
    %dma_start3A_132 = arith.constant 0 : i32
    %dma_start3A_133 = tpu.memref_slice %arg5[%dma_start3A_132, %mul3A_129] : memref<32x2016xf32, #tpu.memory_space<vmem>> -> memref<32x1024xf32, #tpu.memory_space<vmem>>
    %dma_start3A_134 = arith.constant 0 : i32
    %dma_start3A_135 = tpu.memref_slice %arg3[%select_n3A, %mul3A_131, %dma_start3A_134] : memref<16x1024x1024xf32, #tpu.memory_space<hbm>> -> memref<1x32x1024xf32, #tpu.memory_space<hbm>>
    %dma_start3A_136 = tpu.memref_squeeze %dma_start3A_135 : memref<1x32x1024xf32, #tpu.memory_space<hbm>> -> memref<32x1024xf32, #tpu.memory_space<hbm>>
    %dma_start3A_137 = arith.constant 0 : i32
    %dma_start3A_138 = tpu.memref_slice %arg3[%select_n3A, %mul3A_131, %dma_start3A_137] : memref<16x1024x1024xf32, #tpu.memory_space<hbm>> -> memref<1x32x1024xf32, #tpu.memory_space<hbm>>
    %dma_start3A_139 = tpu.memref_squeeze %dma_start3A_138 : memref<1x32x1024xf32, #tpu.memory_space<hbm>> -> memref<32x1024xf32, #tpu.memory_space<hbm>>
    %dma_start3A_140 = arith.constant 0 : i32
    %dma_start3A_141 = tpu.memref_slice %arg5[%dma_start3A_140, %mul3A_129] : memref<32x2016xf32, #tpu.memory_space<vmem>> -> memref<32x1024xf32, #tpu.memory_space<vmem>>
    tpu.enqueue_dma source(%dma_start3A_141 : memref<32x1024xf32, #tpu.memory_space<vmem>>) target(%dma_start3A_139 : memref<32x1024xf32, #tpu.memory_space<hbm>>) target_semaphore(%arg6 : memref<!tpu.dma_semaphore, #tpu.memory_space<semaphore_mem>>)
    %mul3A_142 = arith.constant 16 : i32
    %mul3A_143 = arith.muli %select_n3A_30, %mul3A_142 : i32
    %add3A_144 = arith.constant 5 : i32
    %add3A_145 = arith.addi %mul3A_143, %add3A_144 : i32
    %sub3A_146 = arith.constant 31 : i32
    %sub3A_147 = arith.subi %sub3A_146, %add3A_145 : i32
    %mul3A_148 = arith.constant 32 : i32
    %mul3A_149 = arith.muli %mul3A_148, %sub3A_147 : i32
    %mul3A_150 = arith.constant 32 : i32
    %mul3A_151 = arith.muli %mul3A_150, %add3A_145 : i32
    %dma_start3A_152 = arith.constant 0 : i32
    %dma_start3A_153 = tpu.memref_slice %arg5[%dma_start3A_152, %mul3A_149] : memref<32x2016xf32, #tpu.memory_space<vmem>> -> memref<32x1024xf32, #tpu.memory_space<vmem>>
    %dma_start3A_154 = arith.constant 0 : i32
    %dma_start3A_155 = tpu.memref_slice %arg3[%select_n3A, %mul3A_151, %dma_start3A_154] : memref<16x1024x1024xf32, #tpu.memory_space<hbm>> -> memref<1x32x1024xf32, #tpu.memory_space<hbm>>
    %dma_start3A_156 = tpu.memref_squeeze %dma_start3A_155 : memref<1x32x1024xf32, #tpu.memory_space<hbm>> -> memref<32x1024xf32, #tpu.memory_space<hbm>>
    %dma_start3A_157 = arith.constant 0 : i32
    %dma_start3A_158 = tpu.memref_slice %arg3[%select_n3A, %mul3A_151, %dma_start3A_157] : memref<16x1024x1024xf32, #tpu.memory_space<hbm>> -> memref<1x32x1024xf32, #tpu.memory_space<hbm>>
    %dma_start3A_159 = tpu.memref_squeeze %dma_start3A_158 : memref<1x32x1024xf32, #tpu.memory_space<hbm>> -> memref<32x1024xf32, #tpu.memory_space<hbm>>
    %dma_start3A_160 = arith.constant 0 : i32
    %dma_start3A_161 = tpu.memref_slice %arg5[%dma_start3A_160, %mul3A_149] : memref<32x2016xf32, #tpu.memory_space<vmem>> -> memref<32x1024xf32, #tpu.memory_space<vmem>>
    tpu.enqueue_dma source(%dma_start3A_161 : memref<32x1024xf32, #tpu.memory_space<vmem>>) target(%dma_start3A_159 : memref<32x1024xf32, #tpu.memory_space<hbm>>) target_semaphore(%arg6 : memref<!tpu.dma_semaphore, #tpu.memory_space<semaphore_mem>>)
    %mul3A_162 = arith.constant 16 : i32
    %mul3A_163 = arith.muli %select_n3A_30, %mul3A_162 : i32
    %add3A_164 = arith.constant 6 : i32
    %add3A_165 = arith.addi %mul3A_163, %add3A_164 : i32
    %sub3A_166 = arith.constant 31 : i32
    %sub3A_167 = arith.subi %sub3A_166, %add3A_165 : i32
    %mul3A_168 = arith.constant 32 : i32
    %mul3A_169 = arith.muli %mul3A_168, %sub3A_167 : i32
    %mul3A_170 = arith.constant 32 : i32
    %mul3A_171 = arith.muli %mul3A_170, %add3A_165 : i32
    %dma_start3A_172 = arith.constant 0 : i32
    %dma_start3A_173 = tpu.memref_slice %arg5[%dma_start3A_172, %mul3A_169] : memref<32x2016xf32, #tpu.memory_space<vmem>> -> memref<32x1024xf32, #tpu.memory_space<vmem>>
    %dma_start3A_174 = arith.constant 0 : i32
    %dma_start3A_175 = tpu.memref_slice %arg3[%select_n3A, %mul3A_171, %dma_start3A_174] : memref<16x1024x1024xf32, #tpu.memory_space<hbm>> -> memref<1x32x1024xf32, #tpu.memory_space<hbm>>
    %dma_start3A_176 = tpu.memref_squeeze %dma_start3A_175 : memref<1x32x1024xf32, #tpu.memory_space<hbm>> -> memref<32x1024xf32, #tpu.memory_space<hbm>>
    %dma_start3A_177 = arith.constant 0 : i32
    %dma_start3A_178 = tpu.memref_slice %arg3[%select_n3A, %mul3A_171, %dma_start3A_177] : memref<16x1024x1024xf32, #tpu.memory_space<hbm>> -> memref<1x32x1024xf32, #tpu.memory_space<hbm>>
    %dma_start3A_179 = tpu.memref_squeeze %dma_start3A_178 : memref<1x32x1024xf32, #tpu.memory_space<hbm>> -> memref<32x1024xf32, #tpu.memory_space<hbm>>
    %dma_start3A_180 = arith.constant 0 : i32
    %dma_start3A_181 = tpu.memref_slice %arg5[%dma_start3A_180, %mul3A_169] : memref<32x2016xf32, #tpu.memory_space<vmem>> -> memref<32x1024xf32, #tpu.memory_space<vmem>>
    tpu.enqueue_dma source(%dma_start3A_181 : memref<32x1024xf32, #tpu.memory_space<vmem>>) target(%dma_start3A_179 : memref<32x1024xf32, #tpu.memory_space<hbm>>) target_semaphore(%arg6 : memref<!tpu.dma_semaphore, #tpu.memory_space<semaphore_mem>>)
    %mul3A_182 = arith.constant 16 : i32
    %mul3A_183 = arith.muli %select_n3A_30, %mul3A_182 : i32
    %add3A_184 = arith.constant 7 : i32
    %add3A_185 = arith.addi %mul3A_183, %add3A_184 : i32
    %sub3A_186 = arith.constant 31 : i32
    %sub3A_187 = arith.subi %sub3A_186, %add3A_185 : i32
    %mul3A_188 = arith.constant 32 : i32
    %mul3A_189 = arith.muli %mul3A_188, %sub3A_187 : i32
    %mul3A_190 = arith.constant 32 : i32
    %mul3A_191 = arith.muli %mul3A_190, %add3A_185 : i32
    %dma_start3A_192 = arith.constant 0 : i32
    %dma_start3A_193 = tpu.memref_slice %arg5[%dma_start3A_192, %mul3A_189] : memref<32x2016xf32, #tpu.memory_space<vmem>> -> memref<32x1024xf32, #tpu.memory_space<vmem>>
    %dma_start3A_194 = arith.constant 0 : i32
    %dma_start3A_195 = tpu.memref_slice %arg3[%select_n3A, %mul3A_191, %dma_start3A_194] : memref<16x1024x1024xf32, #tpu.memory_space<hbm>> -> memref<1x32x1024xf32, #tpu.memory_space<hbm>>
    %dma_start3A_196 = tpu.memref_squeeze %dma_start3A_195 : memref<1x32x1024xf32, #tpu.memory_space<hbm>> -> memref<32x1024xf32, #tpu.memory_space<hbm>>
    %dma_start3A_197 = arith.constant 0 : i32
    %dma_start3A_198 = tpu.memref_slice %arg3[%select_n3A, %mul3A_191, %dma_start3A_197] : memref<16x1024x1024xf32, #tpu.memory_space<hbm>> -> memref<1x32x1024xf32, #tpu.memory_space<hbm>>
    %dma_start3A_199 = tpu.memref_squeeze %dma_start3A_198 : memref<1x32x1024xf32, #tpu.memory_space<hbm>> -> memref<32x1024xf32, #tpu.memory_space<hbm>>
    %dma_start3A_200 = arith.constant 0 : i32
    %dma_start3A_201 = tpu.memref_slice %arg5[%dma_start3A_200, %mul3A_189] : memref<32x2016xf32, #tpu.memory_space<vmem>> -> memref<32x1024xf32, #tpu.memory_space<vmem>>
    tpu.enqueue_dma source(%dma_start3A_201 : memref<32x1024xf32, #tpu.memory_space<vmem>>) target(%dma_start3A_199 : memref<32x1024xf32, #tpu.memory_space<hbm>>) target_semaphore(%arg6 : memref<!tpu.dma_semaphore, #tpu.memory_space<semaphore_mem>>)
    %mul3A_202 = arith.constant 16 : i32
    %mul3A_203 = arith.muli %select_n3A_30, %mul3A_202 : i32
    %add3A_204 = arith.constant 8 : i32
    %add3A_205 = arith.addi %mul3A_203, %add3A_204 : i32
    %sub3A_206 = arith.constant 31 : i32
    %sub3A_207 = arith.subi %sub3A_206, %add3A_205 : i32
    %mul3A_208 = arith.constant 32 : i32
    %mul3A_209 = arith.muli %mul3A_208, %sub3A_207 : i32
    %mul3A_210 = arith.constant 32 : i32
    %mul3A_211 = arith.muli %mul3A_210, %add3A_205 : i32
    %dma_start3A_212 = arith.constant 0 : i32
    %dma_start3A_213 = tpu.memref_slice %arg5[%dma_start3A_212, %mul3A_209] : memref<32x2016xf32, #tpu.memory_space<vmem>> -> memref<32x1024xf32, #tpu.memory_space<vmem>>
    %dma_start3A_214 = arith.constant 0 : i32
    %dma_start3A_215 = tpu.memref_slice %arg3[%select_n3A, %mul3A_211, %dma_start3A_214] : memref<16x1024x1024xf32, #tpu.memory_space<hbm>> -> memref<1x32x1024xf32, #tpu.memory_space<hbm>>
    %dma_start3A_216 = tpu.memref_squeeze %dma_start3A_215 : memref<1x32x1024xf32, #tpu.memory_space<hbm>> -> memref<32x1024xf32, #tpu.memory_space<hbm>>
    %dma_start3A_217 = arith.constant 0 : i32
    %dma_start3A_218 = tpu.memref_slice %arg3[%select_n3A, %mul3A_211, %dma_start3A_217] : memref<16x1024x1024xf32, #tpu.memory_space<hbm>> -> memref<1x32x1024xf32, #tpu.memory_space<hbm>>
    %dma_start3A_219 = tpu.memref_squeeze %dma_start3A_218 : memref<1x32x1024xf32, #tpu.memory_space<hbm>> -> memref<32x1024xf32, #tpu.memory_space<hbm>>
    %dma_start3A_220 = arith.constant 0 : i32
    %dma_start3A_221 = tpu.memref_slice %arg5[%dma_start3A_220, %mul3A_209] : memref<32x2016xf32, #tpu.memory_space<vmem>> -> memref<32x1024xf32, #tpu.memory_space<vmem>>
    tpu.enqueue_dma source(%dma_start3A_221 : memref<32x1024xf32, #tpu.memory_space<vmem>>) target(%dma_start3A_219 : memref<32x1024xf32, #tpu.memory_space<hbm>>) target_semaphore(%arg6 : memref<!tpu.dma_semaphore, #tpu.memory_space<semaphore_mem>>)
    %mul3A_222 = arith.constant 16 : i32
    %mul3A_223 = arith.muli %select_n3A_30, %mul3A_222 : i32
    %add3A_224 = arith.constant 9 : i32
    %add3A_225 = arith.addi %mul3A_223, %add3A_224 : i32
    %sub3A_226 = arith.constant 31 : i32
    %sub3A_227 = arith.subi %sub3A_226, %add3A_225 : i32
    %mul3A_228 = arith.constant 32 : i32
    %mul3A_229 = arith.muli %mul3A_228, %sub3A_227 : i32
    %mul3A_230 = arith.constant 32 : i32
    %mul3A_231 = arith.muli %mul3A_230, %add3A_225 : i32
    %dma_start3A_232 = arith.constant 0 : i32
    %dma_start3A_233 = tpu.memref_slice %arg5[%dma_start3A_232, %mul3A_229] : memref<32x2016xf32, #tpu.memory_space<vmem>> -> memref<32x1024xf32, #tpu.memory_space<vmem>>
    %dma_start3A_234 = arith.constant 0 : i32
    %dma_start3A_235 = tpu.memref_slice %arg3[%select_n3A, %mul3A_231, %dma_start3A_234] : memref<16x1024x1024xf32, #tpu.memory_space<hbm>> -> memref<1x32x1024xf32, #tpu.memory_space<hbm>>
    %dma_start3A_236 = tpu.memref_squeeze %dma_start3A_235 : memref<1x32x1024xf32, #tpu.memory_space<hbm>> -> memref<32x1024xf32, #tpu.memory_space<hbm>>
    %dma_start3A_237 = arith.constant 0 : i32
    %dma_start3A_238 = tpu.memref_slice %arg3[%select_n3A, %mul3A_231, %dma_start3A_237] : memref<16x1024x1024xf32, #tpu.memory_space<hbm>> -> memref<1x32x1024xf32, #tpu.memory_space<hbm>>
    %dma_start3A_239 = tpu.memref_squeeze %dma_start3A_238 : memref<1x32x1024xf32, #tpu.memory_space<hbm>> -> memref<32x1024xf32, #tpu.memory_space<hbm>>
    %dma_start3A_240 = arith.constant 0 : i32
    %dma_start3A_241 = tpu.memref_slice %arg5[%dma_start3A_240, %mul3A_229] : memref<32x2016xf32, #tpu.memory_space<vmem>> -> memref<32x1024xf32, #tpu.memory_space<vmem>>
    tpu.enqueue_dma source(%dma_start3A_241 : memref<32x1024xf32, #tpu.memory_space<vmem>>) target(%dma_start3A_239 : memref<32x1024xf32, #tpu.memory_space<hbm>>) target_semaphore(%arg6 : memref<!tpu.dma_semaphore, #tpu.memory_space<semaphore_mem>>)
    %mul3A_242 = arith.constant 16 : i32
    %mul3A_243 = arith.muli %select_n3A_30, %mul3A_242 : i32
    %add3A_244 = arith.constant 10 : i32
    %add3A_245 = arith.addi %mul3A_243, %add3A_244 : i32
    %sub3A_246 = arith.constant 31 : i32
    %sub3A_247 = arith.subi %sub3A_246, %add3A_245 : i32
    %mul3A_248 = arith.constant 32 : i32
    %mul3A_249 = arith.muli %mul3A_248, %sub3A_247 : i32
    %mul3A_250 = arith.constant 32 : i32
    %mul3A_251 = arith.muli %mul3A_250, %add3A_245 : i32
    %dma_start3A_252 = arith.constant 0 : i32
    %dma_start3A_253 = tpu.memref_slice %arg5[%dma_start3A_252, %mul3A_249] : memref<32x2016xf32, #tpu.memory_space<vmem>> -> memref<32x1024xf32, #tpu.memory_space<vmem>>
    %dma_start3A_254 = arith.constant 0 : i32
    %dma_start3A_255 = tpu.memref_slice %arg3[%select_n3A, %mul3A_251, %dma_start3A_254] : memref<16x1024x1024xf32, #tpu.memory_space<hbm>> -> memref<1x32x1024xf32, #tpu.memory_space<hbm>>
    %dma_start3A_256 = tpu.memref_squeeze %dma_start3A_255 : memref<1x32x1024xf32, #tpu.memory_space<hbm>> -> memref<32x1024xf32, #tpu.memory_space<hbm>>
    %dma_start3A_257 = arith.constant 0 : i32
    %dma_start3A_258 = tpu.memref_slice %arg3[%select_n3A, %mul3A_251, %dma_start3A_257] : memref<16x1024x1024xf32, #tpu.memory_space<hbm>> -> memref<1x32x1024xf32, #tpu.memory_space<hbm>>
    %dma_start3A_259 = tpu.memref_squeeze %dma_start3A_258 : memref<1x32x1024xf32, #tpu.memory_space<hbm>> -> memref<32x1024xf32, #tpu.memory_space<hbm>>
    %dma_start3A_260 = arith.constant 0 : i32
    %dma_start3A_261 = tpu.memref_slice %arg5[%dma_start3A_260, %mul3A_249] : memref<32x2016xf32, #tpu.memory_space<vmem>> -> memref<32x1024xf32, #tpu.memory_space<vmem>>
    tpu.enqueue_dma source(%dma_start3A_261 : memref<32x1024xf32, #tpu.memory_space<vmem>>) target(%dma_start3A_259 : memref<32x1024xf32, #tpu.memory_space<hbm>>) target_semaphore(%arg6 : memref<!tpu.dma_semaphore, #tpu.memory_space<semaphore_mem>>)
    %mul3A_262 = arith.constant 16 : i32
    %mul3A_263 = arith.muli %select_n3A_30, %mul3A_262 : i32
    %add3A_264 = arith.constant 11 : i32
    %add3A_265 = arith.addi %mul3A_263, %add3A_264 : i32
    %sub3A_266 = arith.constant 31 : i32
    %sub3A_267 = arith.subi %sub3A_266, %add3A_265 : i32
    %mul3A_268 = arith.constant 32 : i32
    %mul3A_269 = arith.muli %mul3A_268, %sub3A_267 : i32
    %mul3A_270 = arith.constant 32 : i32
    %mul3A_271 = arith.muli %mul3A_270, %add3A_265 : i32
    %dma_start3A_272 = arith.constant 0 : i32
    %dma_start3A_273 = tpu.memref_slice %arg5[%dma_start3A_272, %mul3A_269] : memref<32x2016xf32, #tpu.memory_space<vmem>> -> memref<32x1024xf32, #tpu.memory_space<vmem>>
    %dma_start3A_274 = arith.constant 0 : i32
    %dma_start3A_275 = tpu.memref_slice %arg3[%select_n3A, %mul3A_271, %dma_start3A_274] : memref<16x1024x1024xf32, #tpu.memory_space<hbm>> -> memref<1x32x1024xf32, #tpu.memory_space<hbm>>
    %dma_start3A_276 = tpu.memref_squeeze %dma_start3A_275 : memref<1x32x1024xf32, #tpu.memory_space<hbm>> -> memref<32x1024xf32, #tpu.memory_space<hbm>>
    %dma_start3A_277 = arith.constant 0 : i32
    %dma_start3A_278 = tpu.memref_slice %arg3[%select_n3A, %mul3A_271, %dma_start3A_277] : memref<16x1024x1024xf32, #tpu.memory_space<hbm>> -> memref<1x32x1024xf32, #tpu.memory_space<hbm>>
    %dma_start3A_279 = tpu.memref_squeeze %dma_start3A_278 : memref<1x32x1024xf32, #tpu.memory_space<hbm>> -> memref<32x1024xf32, #tpu.memory_space<hbm>>
    %dma_start3A_280 = arith.constant 0 : i32
    %dma_start3A_281 = tpu.memref_slice %arg5[%dma_start3A_280, %mul3A_269] : memref<32x2016xf32, #tpu.memory_space<vmem>> -> memref<32x1024xf32, #tpu.memory_space<vmem>>
    tpu.enqueue_dma source(%dma_start3A_281 : memref<32x1024xf32, #tpu.memory_space<vmem>>) target(%dma_start3A_279 : memref<32x1024xf32, #tpu.memory_space<hbm>>) target_semaphore(%arg6 : memref<!tpu.dma_semaphore, #tpu.memory_space<semaphore_mem>>)
    %mul3A_282 = arith.constant 16 : i32
    %mul3A_283 = arith.muli %select_n3A_30, %mul3A_282 : i32
    %add3A_284 = arith.constant 12 : i32
    %add3A_285 = arith.addi %mul3A_283, %add3A_284 : i32
    %sub3A_286 = arith.constant 31 : i32
    %sub3A_287 = arith.subi %sub3A_286, %add3A_285 : i32
    %mul3A_288 = arith.constant 32 : i32
    %mul3A_289 = arith.muli %mul3A_288, %sub3A_287 : i32
    %mul3A_290 = arith.constant 32 : i32
    %mul3A_291 = arith.muli %mul3A_290, %add3A_285 : i32
    %dma_start3A_292 = arith.constant 0 : i32
    %dma_start3A_293 = tpu.memref_slice %arg5[%dma_start3A_292, %mul3A_289] : memref<32x2016xf32, #tpu.memory_space<vmem>> -> memref<32x1024xf32, #tpu.memory_space<vmem>>
    %dma_start3A_294 = arith.constant 0 : i32
    %dma_start3A_295 = tpu.memref_slice %arg3[%select_n3A, %mul3A_291, %dma_start3A_294] : memref<16x1024x1024xf32, #tpu.memory_space<hbm>> -> memref<1x32x1024xf32, #tpu.memory_space<hbm>>
    %dma_start3A_296 = tpu.memref_squeeze %dma_start3A_295 : memref<1x32x1024xf32, #tpu.memory_space<hbm>> -> memref<32x1024xf32, #tpu.memory_space<hbm>>
    %dma_start3A_297 = arith.constant 0 : i32
    %dma_start3A_298 = tpu.memref_slice %arg3[%select_n3A, %mul3A_291, %dma_start3A_297] : memref<16x1024x1024xf32, #tpu.memory_space<hbm>> -> memref<1x32x1024xf32, #tpu.memory_space<hbm>>
    %dma_start3A_299 = tpu.memref_squeeze %dma_start3A_298 : memref<1x32x1024xf32, #tpu.memory_space<hbm>> -> memref<32x1024xf32, #tpu.memory_space<hbm>>
    %dma_start3A_300 = arith.constant 0 : i32
    %dma_start3A_301 = tpu.memref_slice %arg5[%dma_start3A_300, %mul3A_289] : memref<32x2016xf32, #tpu.memory_space<vmem>> -> memref<32x1024xf32, #tpu.memory_space<vmem>>
    tpu.enqueue_dma source(%dma_start3A_301 : memref<32x1024xf32, #tpu.memory_space<vmem>>) target(%dma_start3A_299 : memref<32x1024xf32, #tpu.memory_space<hbm>>) target_semaphore(%arg6 : memref<!tpu.dma_semaphore, #tpu.memory_space<semaphore_mem>>)
    %mul3A_302 = arith.constant 16 : i32
    %mul3A_303 = arith.muli %select_n3A_30, %mul3A_302 : i32
    %add3A_304 = arith.constant 13 : i32
    %add3A_305 = arith.addi %mul3A_303, %add3A_304 : i32
    %sub3A_306 = arith.constant 31 : i32
    %sub3A_307 = arith.subi %sub3A_306, %add3A_305 : i32
    %mul3A_308 = arith.constant 32 : i32
    %mul3A_309 = arith.muli %mul3A_308, %sub3A_307 : i32
    %mul3A_310 = arith.constant 32 : i32
    %mul3A_311 = arith.muli %mul3A_310, %add3A_305 : i32
    %dma_start3A_312 = arith.constant 0 : i32
    %dma_start3A_313 = tpu.memref_slice %arg5[%dma_start3A_312, %mul3A_309] : memref<32x2016xf32, #tpu.memory_space<vmem>> -> memref<32x1024xf32, #tpu.memory_space<vmem>>
    %dma_start3A_314 = arith.constant 0 : i32
    %dma_start3A_315 = tpu.memref_slice %arg3[%select_n3A, %mul3A_311, %dma_start3A_314] : memref<16x1024x1024xf32, #tpu.memory_space<hbm>> -> memref<1x32x1024xf32, #tpu.memory_space<hbm>>
    %dma_start3A_316 = tpu.memref_squeeze %dma_start3A_315 : memref<1x32x1024xf32, #tpu.memory_space<hbm>> -> memref<32x1024xf32, #tpu.memory_space<hbm>>
    %dma_start3A_317 = arith.constant 0 : i32
    %dma_start3A_318 = tpu.memref_slice %arg3[%select_n3A, %mul3A_311, %dma_start3A_317] : memref<16x1024x1024xf32, #tpu.memory_space<hbm>> -> memref<1x32x1024xf32, #tpu.memory_space<hbm>>
    %dma_start3A_319 = tpu.memref_squeeze %dma_start3A_318 : memref<1x32x1024xf32, #tpu.memory_space<hbm>> -> memref<32x1024xf32, #tpu.memory_space<hbm>>
    %dma_start3A_320 = arith.constant 0 : i32
    %dma_start3A_321 = tpu.memref_slice %arg5[%dma_start3A_320, %mul3A_309] : memref<32x2016xf32, #tpu.memory_space<vmem>> -> memref<32x1024xf32, #tpu.memory_space<vmem>>
    tpu.enqueue_dma source(%dma_start3A_321 : memref<32x1024xf32, #tpu.memory_space<vmem>>) target(%dma_start3A_319 : memref<32x1024xf32, #tpu.memory_space<hbm>>) target_semaphore(%arg6 : memref<!tpu.dma_semaphore, #tpu.memory_space<semaphore_mem>>)
    %mul3A_322 = arith.constant 16 : i32
    %mul3A_323 = arith.muli %select_n3A_30, %mul3A_322 : i32
    %add3A_324 = arith.constant 14 : i32
    %add3A_325 = arith.addi %mul3A_323, %add3A_324 : i32
    %sub3A_326 = arith.constant 31 : i32
    %sub3A_327 = arith.subi %sub3A_326, %add3A_325 : i32
    %mul3A_328 = arith.constant 32 : i32
    %mul3A_329 = arith.muli %mul3A_328, %sub3A_327 : i32
    %mul3A_330 = arith.constant 32 : i32
    %mul3A_331 = arith.muli %mul3A_330, %add3A_325 : i32
    %dma_start3A_332 = arith.constant 0 : i32
    %dma_start3A_333 = tpu.memref_slice %arg5[%dma_start3A_332, %mul3A_329] : memref<32x2016xf32, #tpu.memory_space<vmem>> -> memref<32x1024xf32, #tpu.memory_space<vmem>>
    %dma_start3A_334 = arith.constant 0 : i32
    %dma_start3A_335 = tpu.memref_slice %arg3[%select_n3A, %mul3A_331, %dma_start3A_334] : memref<16x1024x1024xf32, #tpu.memory_space<hbm>> -> memref<1x32x1024xf32, #tpu.memory_space<hbm>>
    %dma_start3A_336 = tpu.memref_squeeze %dma_start3A_335 : memref<1x32x1024xf32, #tpu.memory_space<hbm>> -> memref<32x1024xf32, #tpu.memory_space<hbm>>
    %dma_start3A_337 = arith.constant 0 : i32
    %dma_start3A_338 = tpu.memref_slice %arg3[%select_n3A, %mul3A_331, %dma_start3A_337] : memref<16x1024x1024xf32, #tpu.memory_space<hbm>> -> memref<1x32x1024xf32, #tpu.memory_space<hbm>>
    %dma_start3A_339 = tpu.memref_squeeze %dma_start3A_338 : memref<1x32x1024xf32, #tpu.memory_space<hbm>> -> memref<32x1024xf32, #tpu.memory_space<hbm>>
    %dma_start3A_340 = arith.constant 0 : i32
    %dma_start3A_341 = tpu.memref_slice %arg5[%dma_start3A_340, %mul3A_329] : memref<32x2016xf32, #tpu.memory_space<vmem>> -> memref<32x1024xf32, #tpu.memory_space<vmem>>
    tpu.enqueue_dma source(%dma_start3A_341 : memref<32x1024xf32, #tpu.memory_space<vmem>>) target(%dma_start3A_339 : memref<32x1024xf32, #tpu.memory_space<hbm>>) target_semaphore(%arg6 : memref<!tpu.dma_semaphore, #tpu.memory_space<semaphore_mem>>)
    %mul3A_342 = arith.constant 16 : i32
    %mul3A_343 = arith.muli %select_n3A_30, %mul3A_342 : i32
    %add3A_344 = arith.constant 15 : i32
    %add3A_345 = arith.addi %mul3A_343, %add3A_344 : i32
    %sub3A_346 = arith.constant 31 : i32
    %sub3A_347 = arith.subi %sub3A_346, %add3A_345 : i32
    %mul3A_348 = arith.constant 32 : i32
    %mul3A_349 = arith.muli %mul3A_348, %sub3A_347 : i32
    %mul3A_350 = arith.constant 32 : i32
    %mul3A_351 = arith.muli %mul3A_350, %add3A_345 : i32
    %dma_start3A_352 = arith.constant 0 : i32
    %dma_start3A_353 = tpu.memref_slice %arg5[%dma_start3A_352, %mul3A_349] : memref<32x2016xf32, #tpu.memory_space<vmem>> -> memref<32x1024xf32, #tpu.memory_space<vmem>>
    %dma_start3A_354 = arith.constant 0 : i32
    %dma_start3A_355 = tpu.memref_slice %arg3[%select_n3A, %mul3A_351, %dma_start3A_354] : memref<16x1024x1024xf32, #tpu.memory_space<hbm>> -> memref<1x32x1024xf32, #tpu.memory_space<hbm>>
    %dma_start3A_356 = tpu.memref_squeeze %dma_start3A_355 : memref<1x32x1024xf32, #tpu.memory_space<hbm>> -> memref<32x1024xf32, #tpu.memory_space<hbm>>
    %dma_start3A_357 = arith.constant 0 : i32
    %dma_start3A_358 = tpu.memref_slice %arg3[%select_n3A, %mul3A_351, %dma_start3A_357] : memref<16x1024x1024xf32, #tpu.memory_space<hbm>> -> memref<1x32x1024xf32, #tpu.memory_space<hbm>>
    %dma_start3A_359 = tpu.memref_squeeze %dma_start3A_358 : memref<1x32x1024xf32, #tpu.memory_space<hbm>> -> memref<32x1024xf32, #tpu.memory_space<hbm>>
    %dma_start3A_360 = arith.constant 0 : i32
    %dma_start3A_361 = tpu.memref_slice %arg5[%dma_start3A_360, %mul3A_349] : memref<32x2016xf32, #tpu.memory_space<vmem>> -> memref<32x1024xf32, #tpu.memory_space<vmem>>
    tpu.enqueue_dma source(%dma_start3A_361 : memref<32x1024xf32, #tpu.memory_space<vmem>>) target(%dma_start3A_359 : memref<32x1024xf32, #tpu.memory_space<hbm>>) target_semaphore(%arg6 : memref<!tpu.dma_semaphore, #tpu.memory_space<semaphore_mem>>)
    %dma_wait3A = arith.constant 0 : i32
    %dma_wait3A_362 = tpu.memref_slice %arg5[%dma_wait3A, %mul3A_50] : memref<32x2016xf32, #tpu.memory_space<vmem>> -> memref<32x1024xf32, #tpu.memory_space<vmem>>
    %dma_wait3A_363 = arith.constant 0 : i32
    %dma_wait3A_364 = tpu.memref_slice %arg3[%select_n3A, %mul3A_52, %dma_wait3A_363] : memref<16x1024x1024xf32, #tpu.memory_space<hbm>> -> memref<1x32x1024xf32, #tpu.memory_space<hbm>>
    %dma_wait3A_365 = tpu.memref_squeeze %dma_wait3A_364 : memref<1x32x1024xf32, #tpu.memory_space<hbm>> -> memref<32x1024xf32, #tpu.memory_space<hbm>>
    %dma_wait3A_366 = arith.constant 0 : i32
    %dma_wait3A_367 = tpu.memref_slice %arg3[%select_n3A, %mul3A_52, %dma_wait3A_366] : memref<16x1024x1024xf32, #tpu.memory_space<hbm>> -> memref<1x32x1024xf32, #tpu.memory_space<hbm>>
    %dma_wait3A_368 = tpu.memref_squeeze %dma_wait3A_367 : memref<1x32x1024xf32, #tpu.memory_space<hbm>> -> memref<32x1024xf32, #tpu.memory_space<hbm>>
    %dma_wait3A_369 = arith.constant 0 : i32
    %dma_wait3A_370 = tpu.memref_slice %arg5[%dma_wait3A_369, %mul3A_50] : memref<32x2016xf32, #tpu.memory_space<vmem>> -> memref<32x1024xf32, #tpu.memory_space<vmem>>
    tpu.wait_dma2 semaphore(%arg6 : memref<!tpu.dma_semaphore, #tpu.memory_space<semaphore_mem>>) src(%dma_wait3A_370 : memref<32x1024xf32, #tpu.memory_space<vmem>>) dst(%dma_wait3A_368 : memref<32x1024xf32, #tpu.memory_space<hbm>>)
    %dma_wait3A_371 = arith.constant 0 : i32
    %dma_wait3A_372 = tpu.memref_slice %arg5[%dma_wait3A_371, %mul3A_69] : memref<32x2016xf32, #tpu.memory_space<vmem>> -> memref<32x1024xf32, #tpu.memory_space<vmem>>
    %dma_wait3A_373 = arith.constant 0 : i32
    %dma_wait3A_374 = tpu.memref_slice %arg3[%select_n3A, %mul3A_71, %dma_wait3A_373] : memref<16x1024x1024xf32, #tpu.memory_space<hbm>> -> memref<1x32x1024xf32, #tpu.memory_space<hbm>>
    %dma_wait3A_375 = tpu.memref_squeeze %dma_wait3A_374 : memref<1x32x1024xf32, #tpu.memory_space<hbm>> -> memref<32x1024xf32, #tpu.memory_space<hbm>>
    %dma_wait3A_376 = arith.constant 0 : i32
    %dma_wait3A_377 = tpu.memref_slice %arg3[%select_n3A, %mul3A_71, %dma_wait3A_376] : memref<16x1024x1024xf32, #tpu.memory_space<hbm>> -> memref<1x32x1024xf32, #tpu.memory_space<hbm>>
    %dma_wait3A_378 = tpu.memref_squeeze %dma_wait3A_377 : memref<1x32x1024xf32, #tpu.memory_space<hbm>> -> memref<32x1024xf32, #tpu.memory_space<hbm>>
    %dma_wait3A_379 = arith.constant 0 : i32
    %dma_wait3A_380 = tpu.memref_slice %arg5[%dma_wait3A_379, %mul3A_69] : memref<32x2016xf32, #tpu.memory_space<vmem>> -> memref<32x1024xf32, #tpu.memory_space<vmem>>
    tpu.wait_dma2 semaphore(%arg6 : memref<!tpu.dma_semaphore, #tpu.memory_space<semaphore_mem>>) src(%dma_wait3A_380 : memref<32x1024xf32, #tpu.memory_space<vmem>>) dst(%dma_wait3A_378 : memref<32x1024xf32, #tpu.memory_space<hbm>>)
    %dma_wait3A_381 = arith.constant 0 : i32
    %dma_wait3A_382 = tpu.memref_slice %arg5[%dma_wait3A_381, %mul3A_89] : memref<32x2016xf32, #tpu.memory_space<vmem>> -> memref<32x1024xf32, #tpu.memory_space<vmem>>
    %dma_wait3A_383 = arith.constant 0 : i32
    %dma_wait3A_384 = tpu.memref_slice %arg3[%select_n3A, %mul3A_91, %dma_wait3A_383] : memref<16x1024x1024xf32, #tpu.memory_space<hbm>> -> memref<1x32x1024xf32, #tpu.memory_space<hbm>>
    %dma_wait3A_385 = tpu.memref_squeeze %dma_wait3A_384 : memref<1x32x1024xf32, #tpu.memory_space<hbm>> -> memref<32x1024xf32, #tpu.memory_space<hbm>>
    %dma_wait3A_386 = arith.constant 0 : i32
    %dma_wait3A_387 = tpu.memref_slice %arg3[%select_n3A, %mul3A_91, %dma_wait3A_386] : memref<16x1024x1024xf32, #tpu.memory_space<hbm>> -> memref<1x32x1024xf32, #tpu.memory_space<hbm>>
    %dma_wait3A_388 = tpu.memref_squeeze %dma_wait3A_387 : memref<1x32x1024xf32, #tpu.memory_space<hbm>> -> memref<32x1024xf32, #tpu.memory_space<hbm>>
    %dma_wait3A_389 = arith.constant 0 : i32
    %dma_wait3A_390 = tpu.memref_slice %arg5[%dma_wait3A_389, %mul3A_89] : memref<32x2016xf32, #tpu.memory_space<vmem>> -> memref<32x1024xf32, #tpu.memory_space<vmem>>
    tpu.wait_dma2 semaphore(%arg6 : memref<!tpu.dma_semaphore, #tpu.memory_space<semaphore_mem>>) src(%dma_wait3A_390 : memref<32x1024xf32, #tpu.memory_space<vmem>>) dst(%dma_wait3A_388 : memref<32x1024xf32, #tpu.memory_space<hbm>>)
    %dma_wait3A_391 = arith.constant 0 : i32
    %dma_wait3A_392 = tpu.memref_slice %arg5[%dma_wait3A_391, %mul3A_109] : memref<32x2016xf32, #tpu.memory_space<vmem>> -> memref<32x1024xf32, #tpu.memory_space<vmem>>
    %dma_wait3A_393 = arith.constant 0 : i32
    %dma_wait3A_394 = tpu.memref_slice %arg3[%select_n3A, %mul3A_111, %dma_wait3A_393] : memref<16x1024x1024xf32, #tpu.memory_space<hbm>> -> memref<1x32x1024xf32, #tpu.memory_space<hbm>>
    %dma_wait3A_395 = tpu.memref_squeeze %dma_wait3A_394 : memref<1x32x1024xf32, #tpu.memory_space<hbm>> -> memref<32x1024xf32, #tpu.memory_space<hbm>>
    %dma_wait3A_396 = arith.constant 0 : i32
    %dma_wait3A_397 = tpu.memref_slice %arg3[%select_n3A, %mul3A_111, %dma_wait3A_396] : memref<16x1024x1024xf32, #tpu.memory_space<hbm>> -> memref<1x32x1024xf32, #tpu.memory_space<hbm>>
    %dma_wait3A_398 = tpu.memref_squeeze %dma_wait3A_397 : memref<1x32x1024xf32, #tpu.memory_space<hbm>> -> memref<32x1024xf32, #tpu.memory_space<hbm>>
    %dma_wait3A_399 = arith.constant 0 : i32
    %dma_wait3A_400 = tpu.memref_slice %arg5[%dma_wait3A_399, %mul3A_109] : memref<32x2016xf32, #tpu.memory_space<vmem>> -> memref<32x1024xf32, #tpu.memory_space<vmem>>
    tpu.wait_dma2 semaphore(%arg6 : memref<!tpu.dma_semaphore, #tpu.memory_space<semaphore_mem>>) src(%dma_wait3A_400 : memref<32x1024xf32, #tpu.memory_space<vmem>>) dst(%dma_wait3A_398 : memref<32x1024xf32, #tpu.memory_space<hbm>>)
    %dma_wait3A_401 = arith.constant 0 : i32
    %dma_wait3A_402 = tpu.memref_slice %arg5[%dma_wait3A_401, %mul3A_129] : memref<32x2016xf32, #tpu.memory_space<vmem>> -> memref<32x1024xf32, #tpu.memory_space<vmem>>
    %dma_wait3A_403 = arith.constant 0 : i32
    %dma_wait3A_404 = tpu.memref_slice %arg3[%select_n3A, %mul3A_131, %dma_wait3A_403] : memref<16x1024x1024xf32, #tpu.memory_space<hbm>> -> memref<1x32x1024xf32, #tpu.memory_space<hbm>>
    %dma_wait3A_405 = tpu.memref_squeeze %dma_wait3A_404 : memref<1x32x1024xf32, #tpu.memory_space<hbm>> -> memref<32x1024xf32, #tpu.memory_space<hbm>>
    %dma_wait3A_406 = arith.constant 0 : i32
    %dma_wait3A_407 = tpu.memref_slice %arg3[%select_n3A, %mul3A_131, %dma_wait3A_406] : memref<16x1024x1024xf32, #tpu.memory_space<hbm>> -> memref<1x32x1024xf32, #tpu.memory_space<hbm>>
    %dma_wait3A_408 = tpu.memref_squeeze %dma_wait3A_407 : memref<1x32x1024xf32, #tpu.memory_space<hbm>> -> memref<32x1024xf32, #tpu.memory_space<hbm>>
    %dma_wait3A_409 = arith.constant 0 : i32
    %dma_wait3A_410 = tpu.memref_slice %arg5[%dma_wait3A_409, %mul3A_129] : memref<32x2016xf32, #tpu.memory_space<vmem>> -> memref<32x1024xf32, #tpu.memory_space<vmem>>
    tpu.wait_dma2 semaphore(%arg6 : memref<!tpu.dma_semaphore, #tpu.memory_space<semaphore_mem>>) src(%dma_wait3A_410 : memref<32x1024xf32, #tpu.memory_space<vmem>>) dst(%dma_wait3A_408 : memref<32x1024xf32, #tpu.memory_space<hbm>>)
    %dma_wait3A_411 = arith.constant 0 : i32
    %dma_wait3A_412 = tpu.memref_slice %arg5[%dma_wait3A_411, %mul3A_149] : memref<32x2016xf32, #tpu.memory_space<vmem>> -> memref<32x1024xf32, #tpu.memory_space<vmem>>
    %dma_wait3A_413 = arith.constant 0 : i32
    %dma_wait3A_414 = tpu.memref_slice %arg3[%select_n3A, %mul3A_151, %dma_wait3A_413] : memref<16x1024x1024xf32, #tpu.memory_space<hbm>> -> memref<1x32x1024xf32, #tpu.memory_space<hbm>>
    %dma_wait3A_415 = tpu.memref_squeeze %dma_wait3A_414 : memref<1x32x1024xf32, #tpu.memory_space<hbm>> -> memref<32x1024xf32, #tpu.memory_space<hbm>>
    %dma_wait3A_416 = arith.constant 0 : i32
    %dma_wait3A_417 = tpu.memref_slice %arg3[%select_n3A, %mul3A_151, %dma_wait3A_416] : memref<16x1024x1024xf32, #tpu.memory_space<hbm>> -> memref<1x32x1024xf32, #tpu.memory_space<hbm>>
    %dma_wait3A_418 = tpu.memref_squeeze %dma_wait3A_417 : memref<1x32x1024xf32, #tpu.memory_space<hbm>> -> memref<32x1024xf32, #tpu.memory_space<hbm>>
    %dma_wait3A_419 = arith.constant 0 : i32
    %dma_wait3A_420 = tpu.memref_slice %arg5[%dma_wait3A_419, %mul3A_149] : memref<32x2016xf32, #tpu.memory_space<vmem>> -> memref<32x1024xf32, #tpu.memory_space<vmem>>
    tpu.wait_dma2 semaphore(%arg6 : memref<!tpu.dma_semaphore, #tpu.memory_space<semaphore_mem>>) src(%dma_wait3A_420 : memref<32x1024xf32, #tpu.memory_space<vmem>>) dst(%dma_wait3A_418 : memref<32x1024xf32, #tpu.memory_space<hbm>>)
    %dma_wait3A_421 = arith.constant 0 : i32
    %dma_wait3A_422 = tpu.memref_slice %arg5[%dma_wait3A_421, %mul3A_169] : memref<32x2016xf32, #tpu.memory_space<vmem>> -> memref<32x1024xf32, #tpu.memory_space<vmem>>
    %dma_wait3A_423 = arith.constant 0 : i32
    %dma_wait3A_424 = tpu.memref_slice %arg3[%select_n3A, %mul3A_171, %dma_wait3A_423] : memref<16x1024x1024xf32, #tpu.memory_space<hbm>> -> memref<1x32x1024xf32, #tpu.memory_space<hbm>>
    %dma_wait3A_425 = tpu.memref_squeeze %dma_wait3A_424 : memref<1x32x1024xf32, #tpu.memory_space<hbm>> -> memref<32x1024xf32, #tpu.memory_space<hbm>>
    %dma_wait3A_426 = arith.constant 0 : i32
    %dma_wait3A_427 = tpu.memref_slice %arg3[%select_n3A, %mul3A_171, %dma_wait3A_426] : memref<16x1024x1024xf32, #tpu.memory_space<hbm>> -> memref<1x32x1024xf32, #tpu.memory_space<hbm>>
    %dma_wait3A_428 = tpu.memref_squeeze %dma_wait3A_427 : memref<1x32x1024xf32, #tpu.memory_space<hbm>> -> memref<32x1024xf32, #tpu.memory_space<hbm>>
    %dma_wait3A_429 = arith.constant 0 : i32
    %dma_wait3A_430 = tpu.memref_slice %arg5[%dma_wait3A_429, %mul3A_169] : memref<32x2016xf32, #tpu.memory_space<vmem>> -> memref<32x1024xf32, #tpu.memory_space<vmem>>
    tpu.wait_dma2 semaphore(%arg6 : memref<!tpu.dma_semaphore, #tpu.memory_space<semaphore_mem>>) src(%dma_wait3A_430 : memref<32x1024xf32, #tpu.memory_space<vmem>>) dst(%dma_wait3A_428 : memref<32x1024xf32, #tpu.memory_space<hbm>>)
    %dma_wait3A_431 = arith.constant 0 : i32
    %dma_wait3A_432 = tpu.memref_slice %arg5[%dma_wait3A_431, %mul3A_189] : memref<32x2016xf32, #tpu.memory_space<vmem>> -> memref<32x1024xf32, #tpu.memory_space<vmem>>
    %dma_wait3A_433 = arith.constant 0 : i32
    %dma_wait3A_434 = tpu.memref_slice %arg3[%select_n3A, %mul3A_191, %dma_wait3A_433] : memref<16x1024x1024xf32, #tpu.memory_space<hbm>> -> memref<1x32x1024xf32, #tpu.memory_space<hbm>>
    %dma_wait3A_435 = tpu.memref_squeeze %dma_wait3A_434 : memref<1x32x1024xf32, #tpu.memory_space<hbm>> -> memref<32x1024xf32, #tpu.memory_space<hbm>>
    %dma_wait3A_436 = arith.constant 0 : i32
    %dma_wait3A_437 = tpu.memref_slice %arg3[%select_n3A, %mul3A_191, %dma_wait3A_436] : memref<16x1024x1024xf32, #tpu.memory_space<hbm>> -> memref<1x32x1024xf32, #tpu.memory_space<hbm>>
    %dma_wait3A_438 = tpu.memref_squeeze %dma_wait3A_437 : memref<1x32x1024xf32, #tpu.memory_space<hbm>> -> memref<32x1024xf32, #tpu.memory_space<hbm>>
    %dma_wait3A_439 = arith.constant 0 : i32
    %dma_wait3A_440 = tpu.memref_slice %arg5[%dma_wait3A_439, %mul3A_189] : memref<32x2016xf32, #tpu.memory_space<vmem>> -> memref<32x1024xf32, #tpu.memory_space<vmem>>
    tpu.wait_dma2 semaphore(%arg6 : memref<!tpu.dma_semaphore, #tpu.memory_space<semaphore_mem>>) src(%dma_wait3A_440 : memref<32x1024xf32, #tpu.memory_space<vmem>>) dst(%dma_wait3A_438 : memref<32x1024xf32, #tpu.memory_space<hbm>>)
    %dma_wait3A_441 = arith.constant 0 : i32
    %dma_wait3A_442 = tpu.memref_slice %arg5[%dma_wait3A_441, %mul3A_209] : memref<32x2016xf32, #tpu.memory_space<vmem>> -> memref<32x1024xf32, #tpu.memory_space<vmem>>
    %dma_wait3A_443 = arith.constant 0 : i32
    %dma_wait3A_444 = tpu.memref_slice %arg3[%select_n3A, %mul3A_211, %dma_wait3A_443] : memref<16x1024x1024xf32, #tpu.memory_space<hbm>> -> memref<1x32x1024xf32, #tpu.memory_space<hbm>>
    %dma_wait3A_445 = tpu.memref_squeeze %dma_wait3A_444 : memref<1x32x1024xf32, #tpu.memory_space<hbm>> -> memref<32x1024xf32, #tpu.memory_space<hbm>>
    %dma_wait3A_446 = arith.constant 0 : i32
    %dma_wait3A_447 = tpu.memref_slice %arg3[%select_n3A, %mul3A_211, %dma_wait3A_446] : memref<16x1024x1024xf32, #tpu.memory_space<hbm>> -> memref<1x32x1024xf32, #tpu.memory_space<hbm>>
    %dma_wait3A_448 = tpu.memref_squeeze %dma_wait3A_447 : memref<1x32x1024xf32, #tpu.memory_space<hbm>> -> memref<32x1024xf32, #tpu.memory_space<hbm>>
    %dma_wait3A_449 = arith.constant 0 : i32
    %dma_wait3A_450 = tpu.memref_slice %arg5[%dma_wait3A_449, %mul3A_209] : memref<32x2016xf32, #tpu.memory_space<vmem>> -> memref<32x1024xf32, #tpu.memory_space<vmem>>
    tpu.wait_dma2 semaphore(%arg6 : memref<!tpu.dma_semaphore, #tpu.memory_space<semaphore_mem>>) src(%dma_wait3A_450 : memref<32x1024xf32, #tpu.memory_space<vmem>>) dst(%dma_wait3A_448 : memref<32x1024xf32, #tpu.memory_space<hbm>>)
    %dma_wait3A_451 = arith.constant 0 : i32
    %dma_wait3A_452 = tpu.memref_slice %arg5[%dma_wait3A_451, %mul3A_229] : memref<32x2016xf32, #tpu.memory_space<vmem>> -> memref<32x1024xf32, #tpu.memory_space<vmem>>
    %dma_wait3A_453 = arith.constant 0 : i32
    %dma_wait3A_454 = tpu.memref_slice %arg3[%select_n3A, %mul3A_231, %dma_wait3A_453] : memref<16x1024x1024xf32, #tpu.memory_space<hbm>> -> memref<1x32x1024xf32, #tpu.memory_space<hbm>>
    %dma_wait3A_455 = tpu.memref_squeeze %dma_wait3A_454 : memref<1x32x1024xf32, #tpu.memory_space<hbm>> -> memref<32x1024xf32, #tpu.memory_space<hbm>>
    %dma_wait3A_456 = arith.constant 0 : i32
    %dma_wait3A_457 = tpu.memref_slice %arg3[%select_n3A, %mul3A_231, %dma_wait3A_456] : memref<16x1024x1024xf32, #tpu.memory_space<hbm>> -> memref<1x32x1024xf32, #tpu.memory_space<hbm>>
    %dma_wait3A_458 = tpu.memref_squeeze %dma_wait3A_457 : memref<1x32x1024xf32, #tpu.memory_space<hbm>> -> memref<32x1024xf32, #tpu.memory_space<hbm>>
    %dma_wait3A_459 = arith.constant 0 : i32
    %dma_wait3A_460 = tpu.memref_slice %arg5[%dma_wait3A_459, %mul3A_229] : memref<32x2016xf32, #tpu.memory_space<vmem>> -> memref<32x1024xf32, #tpu.memory_space<vmem>>
    tpu.wait_dma2 semaphore(%arg6 : memref<!tpu.dma_semaphore, #tpu.memory_space<semaphore_mem>>) src(%dma_wait3A_460 : memref<32x1024xf32, #tpu.memory_space<vmem>>) dst(%dma_wait3A_458 : memref<32x1024xf32, #tpu.memory_space<hbm>>)
    %dma_wait3A_461 = arith.constant 0 : i32
    %dma_wait3A_462 = tpu.memref_slice %arg5[%dma_wait3A_461, %mul3A_249] : memref<32x2016xf32, #tpu.memory_space<vmem>> -> memref<32x1024xf32, #tpu.memory_space<vmem>>
    %dma_wait3A_463 = arith.constant 0 : i32
    %dma_wait3A_464 = tpu.memref_slice %arg3[%select_n3A, %mul3A_251, %dma_wait3A_463] : memref<16x1024x1024xf32, #tpu.memory_space<hbm>> -> memref<1x32x1024xf32, #tpu.memory_space<hbm>>
    %dma_wait3A_465 = tpu.memref_squeeze %dma_wait3A_464 : memref<1x32x1024xf32, #tpu.memory_space<hbm>> -> memref<32x1024xf32, #tpu.memory_space<hbm>>
    %dma_wait3A_466 = arith.constant 0 : i32
    %dma_wait3A_467 = tpu.memref_slice %arg3[%select_n3A, %mul3A_251, %dma_wait3A_466] : memref<16x1024x1024xf32, #tpu.memory_space<hbm>> -> memref<1x32x1024xf32, #tpu.memory_space<hbm>>
    %dma_wait3A_468 = tpu.memref_squeeze %dma_wait3A_467 : memref<1x32x1024xf32, #tpu.memory_space<hbm>> -> memref<32x1024xf32, #tpu.memory_space<hbm>>
    %dma_wait3A_469 = arith.constant 0 : i32
    %dma_wait3A_470 = tpu.memref_slice %arg5[%dma_wait3A_469, %mul3A_249] : memref<32x2016xf32, #tpu.memory_space<vmem>> -> memref<32x1024xf32, #tpu.memory_space<vmem>>
    tpu.wait_dma2 semaphore(%arg6 : memref<!tpu.dma_semaphore, #tpu.memory_space<semaphore_mem>>) src(%dma_wait3A_470 : memref<32x1024xf32, #tpu.memory_space<vmem>>) dst(%dma_wait3A_468 : memref<32x1024xf32, #tpu.memory_space<hbm>>)
    %dma_wait3A_471 = arith.constant 0 : i32
    %dma_wait3A_472 = tpu.memref_slice %arg5[%dma_wait3A_471, %mul3A_269] : memref<32x2016xf32, #tpu.memory_space<vmem>> -> memref<32x1024xf32, #tpu.memory_space<vmem>>
    %dma_wait3A_473 = arith.constant 0 : i32
    %dma_wait3A_474 = tpu.memref_slice %arg3[%select_n3A, %mul3A_271, %dma_wait3A_473] : memref<16x1024x1024xf32, #tpu.memory_space<hbm>> -> memref<1x32x1024xf32, #tpu.memory_space<hbm>>
    %dma_wait3A_475 = tpu.memref_squeeze %dma_wait3A_474 : memref<1x32x1024xf32, #tpu.memory_space<hbm>> -> memref<32x1024xf32, #tpu.memory_space<hbm>>
    %dma_wait3A_476 = arith.constant 0 : i32
    %dma_wait3A_477 = tpu.memref_slice %arg3[%select_n3A, %mul3A_271, %dma_wait3A_476] : memref<16x1024x1024xf32, #tpu.memory_space<hbm>> -> memref<1x32x1024xf32, #tpu.memory_space<hbm>>
    %dma_wait3A_478 = tpu.memref_squeeze %dma_wait3A_477 : memref<1x32x1024xf32, #tpu.memory_space<hbm>> -> memref<32x1024xf32, #tpu.memory_space<hbm>>
    %dma_wait3A_479 = arith.constant 0 : i32
    %dma_wait3A_480 = tpu.memref_slice %arg5[%dma_wait3A_479, %mul3A_269] : memref<32x2016xf32, #tpu.memory_space<vmem>> -> memref<32x1024xf32, #tpu.memory_space<vmem>>
    tpu.wait_dma2 semaphore(%arg6 : memref<!tpu.dma_semaphore, #tpu.memory_space<semaphore_mem>>) src(%dma_wait3A_480 : memref<32x1024xf32, #tpu.memory_space<vmem>>) dst(%dma_wait3A_478 : memref<32x1024xf32, #tpu.memory_space<hbm>>)
    %dma_wait3A_481 = arith.constant 0 : i32
    %dma_wait3A_482 = tpu.memref_slice %arg5[%dma_wait3A_481, %mul3A_289] : memref<32x2016xf32, #tpu.memory_space<vmem>> -> memref<32x1024xf32, #tpu.memory_space<vmem>>
    %dma_wait3A_483 = arith.constant 0 : i32
    %dma_wait3A_484 = tpu.memref_slice %arg3[%select_n3A, %mul3A_291, %dma_wait3A_483] : memref<16x1024x1024xf32, #tpu.memory_space<hbm>> -> memref<1x32x1024xf32, #tpu.memory_space<hbm>>
    %dma_wait3A_485 = tpu.memref_squeeze %dma_wait3A_484 : memref<1x32x1024xf32, #tpu.memory_space<hbm>> -> memref<32x1024xf32, #tpu.memory_space<hbm>>
    %dma_wait3A_486 = arith.constant 0 : i32
    %dma_wait3A_487 = tpu.memref_slice %arg3[%select_n3A, %mul3A_291, %dma_wait3A_486] : memref<16x1024x1024xf32, #tpu.memory_space<hbm>> -> memref<1x32x1024xf32, #tpu.memory_space<hbm>>
    %dma_wait3A_488 = tpu.memref_squeeze %dma_wait3A_487 : memref<1x32x1024xf32, #tpu.memory_space<hbm>> -> memref<32x1024xf32, #tpu.memory_space<hbm>>
    %dma_wait3A_489 = arith.constant 0 : i32
    %dma_wait3A_490 = tpu.memref_slice %arg5[%dma_wait3A_489, %mul3A_289] : memref<32x2016xf32, #tpu.memory_space<vmem>> -> memref<32x1024xf32, #tpu.memory_space<vmem>>
    tpu.wait_dma2 semaphore(%arg6 : memref<!tpu.dma_semaphore, #tpu.memory_space<semaphore_mem>>) src(%dma_wait3A_490 : memref<32x1024xf32, #tpu.memory_space<vmem>>) dst(%dma_wait3A_488 : memref<32x1024xf32, #tpu.memory_space<hbm>>)
    %dma_wait3A_491 = arith.constant 0 : i32
    %dma_wait3A_492 = tpu.memref_slice %arg5[%dma_wait3A_491, %mul3A_309] : memref<32x2016xf32, #tpu.memory_space<vmem>> -> memref<32x1024xf32, #tpu.memory_space<vmem>>
    %dma_wait3A_493 = arith.constant 0 : i32
    %dma_wait3A_494 = tpu.memref_slice %arg3[%select_n3A, %mul3A_311, %dma_wait3A_493] : memref<16x1024x1024xf32, #tpu.memory_space<hbm>> -> memref<1x32x1024xf32, #tpu.memory_space<hbm>>
    %dma_wait3A_495 = tpu.memref_squeeze %dma_wait3A_494 : memref<1x32x1024xf32, #tpu.memory_space<hbm>> -> memref<32x1024xf32, #tpu.memory_space<hbm>>
    %dma_wait3A_496 = arith.constant 0 : i32
    %dma_wait3A_497 = tpu.memref_slice %arg3[%select_n3A, %mul3A_311, %dma_wait3A_496] : memref<16x1024x1024xf32, #tpu.memory_space<hbm>> -> memref<1x32x1024xf32, #tpu.memory_space<hbm>>
    %dma_wait3A_498 = tpu.memref_squeeze %dma_wait3A_497 : memref<1x32x1024xf32, #tpu.memory_space<hbm>> -> memref<32x1024xf32, #tpu.memory_space<hbm>>
    %dma_wait3A_499 = arith.constant 0 : i32
    %dma_wait3A_500 = tpu.memref_slice %arg5[%dma_wait3A_499, %mul3A_309] : memref<32x2016xf32, #tpu.memory_space<vmem>> -> memref<32x1024xf32, #tpu.memory_space<vmem>>
    tpu.wait_dma2 semaphore(%arg6 : memref<!tpu.dma_semaphore, #tpu.memory_space<semaphore_mem>>) src(%dma_wait3A_500 : memref<32x1024xf32, #tpu.memory_space<vmem>>) dst(%dma_wait3A_498 : memref<32x1024xf32, #tpu.memory_space<hbm>>)
    %dma_wait3A_501 = arith.constant 0 : i32
    %dma_wait3A_502 = tpu.memref_slice %arg5[%dma_wait3A_501, %mul3A_329] : memref<32x2016xf32, #tpu.memory_space<vmem>> -> memref<32x1024xf32, #tpu.memory_space<vmem>>
    %dma_wait3A_503 = arith.constant 0 : i32
    %dma_wait3A_504 = tpu.memref_slice %arg3[%select_n3A, %mul3A_331, %dma_wait3A_503] : memref<16x1024x1024xf32, #tpu.memory_space<hbm>> -> memref<1x32x1024xf32, #tpu.memory_space<hbm>>
    %dma_wait3A_505 = tpu.memref_squeeze %dma_wait3A_504 : memref<1x32x1024xf32, #tpu.memory_space<hbm>> -> memref<32x1024xf32, #tpu.memory_space<hbm>>
    %dma_wait3A_506 = arith.constant 0 : i32
    %dma_wait3A_507 = tpu.memref_slice %arg3[%select_n3A, %mul3A_331, %dma_wait3A_506] : memref<16x1024x1024xf32, #tpu.memory_space<hbm>> -> memref<1x32x1024xf32, #tpu.memory_space<hbm>>
    %dma_wait3A_508 = tpu.memref_squeeze %dma_wait3A_507 : memref<1x32x1024xf32, #tpu.memory_space<hbm>> -> memref<32x1024xf32, #tpu.memory_space<hbm>>
    %dma_wait3A_509 = arith.constant 0 : i32
    %dma_wait3A_510 = tpu.memref_slice %arg5[%dma_wait3A_509, %mul3A_329] : memref<32x2016xf32, #tpu.memory_space<vmem>> -> memref<32x1024xf32, #tpu.memory_space<vmem>>
    tpu.wait_dma2 semaphore(%arg6 : memref<!tpu.dma_semaphore, #tpu.memory_space<semaphore_mem>>) src(%dma_wait3A_510 : memref<32x1024xf32, #tpu.memory_space<vmem>>) dst(%dma_wait3A_508 : memref<32x1024xf32, #tpu.memory_space<hbm>>)
    %dma_wait3A_511 = arith.constant 0 : i32
    %dma_wait3A_512 = tpu.memref_slice %arg5[%dma_wait3A_511, %mul3A_349] : memref<32x2016xf32, #tpu.memory_space<vmem>> -> memref<32x1024xf32, #tpu.memory_space<vmem>>
    %dma_wait3A_513 = arith.constant 0 : i32
    %dma_wait3A_514 = tpu.memref_slice %arg3[%select_n3A, %mul3A_351, %dma_wait3A_513] : memref<16x1024x1024xf32, #tpu.memory_space<hbm>> -> memref<1x32x1024xf32, #tpu.memory_space<hbm>>
    %dma_wait3A_515 = tpu.memref_squeeze %dma_wait3A_514 : memref<1x32x1024xf32, #tpu.memory_space<hbm>> -> memref<32x1024xf32, #tpu.memory_space<hbm>>
    %dma_wait3A_516 = arith.constant 0 : i32
    %dma_wait3A_517 = tpu.memref_slice %arg3[%select_n3A, %mul3A_351, %dma_wait3A_516] : memref<16x1024x1024xf32, #tpu.memory_space<hbm>> -> memref<1x32x1024xf32, #tpu.memory_space<hbm>>
    %dma_wait3A_518 = tpu.memref_squeeze %dma_wait3A_517 : memref<1x32x1024xf32, #tpu.memory_space<hbm>> -> memref<32x1024xf32, #tpu.memory_space<hbm>>
    %dma_wait3A_519 = arith.constant 0 : i32
    %dma_wait3A_520 = tpu.memref_slice %arg5[%dma_wait3A_519, %mul3A_349] : memref<32x2016xf32, #tpu.memory_space<vmem>> -> memref<32x1024xf32, #tpu.memory_space<vmem>>
    tpu.wait_dma2 semaphore(%arg6 : memref<!tpu.dma_semaphore, #tpu.memory_space<semaphore_mem>>) src(%dma_wait3A_520 : memref<32x1024xf32, #tpu.memory_space<vmem>>) dst(%dma_wait3A_518 : memref<32x1024xf32, #tpu.memory_space<hbm>>)
    return
  }
}

</mosaic_0001>

<sc_bundles>
// kernel: kernel.3.cloned.1.call-start
scs
__scs_entry_jumppad:
0x0: {  	(pc) =	sbr.rel $0x88, $3  }
0x1: {  	(tag) =	ssettag $0x0;
	lr =	simm.s32 $0x1  }
0x2: {  	[smem:$0x3FA0] =	sst lr;
	_ =	strace $0xD0000000  }
0x3: {  	_ = 	snop  }
0x4: {  	_ = 	snop  }
0x5: {  	_ = 	snop  }
0x6: {  	_ = 	snop  }
0x7: {  	_ = 	snop  }
__scs_overlays_trampoline_lowered:
0x8: {  	[smem:$0x3FAF] =	sst s0  }
0x9: {  	[smem:$0x3FB0] =	sst s1  }
0xa: {  	[smem:$0x3FB1] =	sst s2  }
0xb: {  	[smem:$0x3FB2] =	sst s3  }
0xc: {  	[smem:$0x3FB3] =	sst s4  }
0xd: {  	[smem:$0x3FB4] =	sst s5  }
0xe: {  	[smem:$0x3FB5] =	sst s6  }
0xf: {  	[smem:$0x3FB6] =	sst s7  }
0x10: {  	[smem:$0x3FB7] =	sst s8  }
0x11: {  	[smem:$0x3FB8] =	sst s9;
	s0 =	simm.s32 @!p0 $0x0  }
0x12: {  	s1 =	sld [smem:$0x3F9E];
	s0 =	simm.s32 @p0 $0x1  }
0x13: {  	[smem:$0x3FB9] =	sst s0;
	s0 =	simm.s32 @!p1 $0x0  }
0x14: {  	s2 =	sld [smem:$0x3F9D];
	s0 =	simm.s32 @p1 $0x1  }
0x15: {  	[smem:$0x3FBA] =	sst s0;
	s0 =	simm.s32 @!p2 $0x0  }
0x16: {  	s3 =	sld [smem:$0x3FDB];
	s0 =	simm.s32 @p2 $0x1  }
0x17: {  	s4 =	simm.s32 $0x1BF5;
	[smem:$0x3FBC] =	sst s0  }
0x18: {  	s0 =	sld [smem:$0x3F9F];
	_ =	swait.ge [sflag:s4], $0x0  }
0x19: {  	s7 =	sld [smem:$0x3FA0]  }
0x1a: {  	s8 =	sadd.s32 $0xFFFFE003, lr  }
0x1b: {  	s9 =	sadd.s32 $0xFFFFFEF7, lr;
	s5 =	simm.s32 $0xFFFFFFFF;
	p2 =	slt.u32 s8, $0xFFFFF086  }
0x1c: {  	p1 =	slt.u32 s9, $0xF7A;
	s5 =	simm.s32 @!p2 $0x0  }
0x1d: {  	s5 =	simm.s32 @p1 $0x1;
	p0 =	seq.s32 s7, s2  }
0x1e: {  	s7 =	smul.u32 @!p0 $0xF7A, s2;
	p2 =	seq.s32 @!p0 s5, $0x0  }
0x1f: {  	s9 =	smul.u32 $0xF7A, s1;
	s8 =	simm.s32 @!p0 $0x1BF5;
	p2 =	por !p2, p0  }
0x20: {  	[sflag:s8] =	ssyncset.s32 @!p0 $0xFFFFF086;
	s6 =	sadd.s32 @!p0 s3, s7;
	s7 =	simm.s32 @!p0 $0x108  }
0x21: {  	s3 =	sadd.s32 s3, s9;
	s6 =	sadd.s32 @!p0 $0x88, s6;
	s7 =	simm.s32 @p2 $0x1082  }
0x22: {  	[simem:s7], [sflag:s8] =	dma.local @!p0 [hbm:s6], $0xF7A  }
0x23: {  	s9 =	sor.u32 $0xD0000000, s2;
	s6 =	simm.s32 $0x108;
	_ =	swait.ge @!p0 [sflag:s8], $0x0  }
0x24: {  	s3 =	sadd.s32 $0x88, s3;
	s6 =	simm.s32 @!p1 $0x1082;
	[sflag:s4] =	ssyncset.s32 $0xFFFFF086  }
0x25: {  	[simem:s6], [sflag:s4] =	dma.local [hbm:s3], $0xF7A  }
0x26: {  	[smem:$0x3FA0] =	sst s1;
	(tag) =	ssettag s2;
	_ =	strace s9  }
0x27: {  	s1 =	sld [smem:$0x3FB0]  }
0x28: {  	s2 =	sld [smem:$0x3FB1]  }
0x29: {  	s4 =	sld [smem:$0x3FB3]  }
0x2a: {  	p0 =	seq.s32 s5, $0x0;
	s5 =	sld [smem:$0x3FB4]  }
0x2b: {  	s6 =	sld [smem:$0x3FB5]  }
0x2c: {  	s7 =	sld [smem:$0x3FB6]  }
0x2d: {  	s3 =	simm.s32 $0x108;
	s8 =	sld [smem:$0x3FB7]  }
0x2e: {  	s3 =	simm.s32 @!p0 $0x1082;
	s9 =	sld [smem:$0x3FB8]  }
0x2f: {  	lr =	sadd.s32 s0, s3;
	s0 =	sld [smem:$0x3FAF]  }
0x30: {  	s3 =	sld [smem:$0x3FB2]  }
0x31: {  	[smem:$0x3FBB] =	sst s10  }
0x32: {  	s10 =	sld [smem:$0x3FB9];
	_ =	sdelay $0x3  }
0x33: {  	p0 =	seq.s32 s10, $0x1;
	s10 =	sld [smem:$0x3FBB];
	_ =	sdelay $0x3  }
0x34: {  	[smem:$0x3FBB] =	sst s10  }
0x35: {  	s10 =	sld [smem:$0x3FBA];
	_ =	sdelay $0x3  }
0x36: {  	p1 =	seq.s32 s10, $0x1;
	s10 =	sld [smem:$0x3FBB];
	_ =	sdelay $0x3  }
0x37: {  	[smem:$0x3FBB] =	sst s10  }
0x38: {  	s10 =	sld [smem:$0x3FBC]  }
0x39: {  	_ = 	snop;
	(pc) =	sbr.ind lr, $3  }
0x3a: {  	_ = 	snop  }
0x3b: {  	_ = 	snop  }
0x3c: {  	p2 =	seq.s32 s10, $0x1;
	s10 =	sld [smem:$0x3FBB]  }
0x3d: {  	_ =	shalt  }
0x3e: {  	_ =	shalt  }
0x3f: {  	_ =	shalt  }
0x40: {  	_ =	shalt  }
0x41: {  	_ =	shalt  }
0x42: {  	_ =	shalt  }
0x43: {  	_ =	shalt  }
0x44: {  	_ =	shalt  }
0x45: {  	_ =	shalt  }
0x46: {  	_ =	shalt  }
0x47: {  	_ =	shalt  }
0x48: {  	_ =	shalt  }
0x49: {  	_ =	shalt  }
0x4a: {  	_ =	shalt  }
0x4b: {  	_ =	shalt  }
0x4c: {  	_ =	shalt  }
0x4d: {  	_ =	shalt  }
0x4e: {  	_ =	shalt  }
0x4f: {  	_ =	shalt  }
0x50: {  	_ =	shalt  }
0x51: {  	_ =	shalt  }
0x52: {  	_ =	shalt  }
0x53: {  	_ =	shalt  }
0x54: {  	_ =	shalt  }
0x55: {  	_ =	shalt  }
0x56: {  	_ =	shalt  }
0x57: {  	_ =	shalt  }
0x58: {  	_ =	shalt  }
0x59: {  	_ =	shalt  }
0x5a: {  	_ =	shalt  }
0x5b: {  	_ =	shalt  }
0x5c: {  	_ =	shalt  }
0x5d: {  	_ =	shalt  }
0x5e: {  	_ =	shalt  }
0x5f: {  	_ =	shalt  }
0x60: {  	_ =	shalt  }
0x61: {  	_ =	shalt  }
0x62: {  	_ =	shalt  }
0x63: {  	_ =	shalt  }
0x64: {  	_ =	shalt  }
0x65: {  	_ =	shalt  }
0x66: {  	_ =	shalt  }
0x67: {  	_ =	shalt  }
0x68: {  	_ =	shalt  }
0x69: {  	_ =	shalt  }
0x6a: {  	_ =	shalt  }
0x6b: {  	_ =	shalt  }
0x6c: {  	_ =	shalt  }
0x6d: {  	_ =	shalt  }
0x6e: {  	_ =	shalt  }
0x6f: {  	_ =	shalt  }
0x70: {  	_ =	shalt  }
0x71: {  	_ =	shalt  }
0x72: {  	_ =	shalt  }
0x73: {  	_ =	shalt  }
0x74: {  	_ =	shalt  }
0x75: {  	_ =	shalt  }
0x76: {  	_ =	shalt  }
0x77: {  	_ =	shalt  }
0x78: {  	_ =	shalt  }
0x79: {  	_ =	shalt  }
0x7a: {  	_ =	shalt  }
0x7b: {  	_ =	shalt  }
0x7c: {  	_ =	shalt  }
0x7d: {  	_ =	shalt  }
0x7e: {  	_ =	shalt  }
0x7f: {  	_ =	shalt  }
0x80: {  	_ =	shalt  }
0x81: {  	_ =	shalt  }
0x82: {  	_ =	shalt  }
0x83: {  	_ =	shalt  }
0x84: {  	_ =	shalt  }
0x85: {  	_ =	shalt  }
0x86: {  	_ =	shalt  }
0x87: {  	_ =	shalt  }
.Lfunc_end0:
.L_simem_size_0:
called_computation_lowered:
.L_overlay_start_0:
0x88: {  	s2 =	sld [smem:$0x3FD9]  }
0x89: {  	s3 =	sld [smem:$0x3FFE];
	_ =	sdelay $0x1  }
0x8a: {  	s1 =	srdreg.scid  }
0x8b: {  	s0 =	sand.u32 $0x1, s1  }
0x8c: {  	s17 =	sshll.u32 s0, $0xA;
	s2 =	sadd.s32 s3, s2  }
0x8d: {  	s2 =	sadd.s32 s2, s17  }
0x8e: {  	[smem:$0x3FC7] =	sst s2  }
0x8f: {  	_ = 	snop  }
0x90: {  	s2 =	sld [smem:$0x3FD0];
	(tm) =	ssettm $0x1  }
0x91: {  	s18 =	sld [smem:$0x3FFB];
	_ =	sdelay $0x3  }
0x92: {  	_ =	strace s18  }
0x93: {  	s3 =	sld [smem:$0x3FFC];
	_ =	sdelay $0x3  }
0x94: {  	_ =	strace s3  }
0x95: {  	s3 =	sld [smem:$0x3FFD];
	_ =	sdelay $0x3  }
0x96: {  	_ =	strace s3  }
0x97: {  	_ =	strace $0x8FFFFFFF  }
0x98: {  	s19 =	sld [smem:$0x3FDB];
	_ =	sdelay $0x1  }
0x99: {  	s4 =	simm.s32 $_scs_section_size  }
0x9a: {  	s5 =	simm.s32 $_size__tile_overlayer_lowered;
	s6 =	simm.s32 $_tile_overlayer_lowered  }
0x9b: {  	s22 =	simm.s32 $0x1BFF;
	s21 =	sshll.u32 s6, $0x1;
	s3 =	sadd.s32 s4, s19  }
0x9c: {  	s7 =	simm.s32 $0x0;
	s20 =	sshll.u32 s5, $0x1;
	s5 =	sadd.s32 s21, s3  }
0x9d: {  	[timem:s7], [sflag:s22] =	dma.local [hbm:s5], s20  }
0x9e: {  	_ =	swait.ge [sflag:s22], s20  }
0x9f: {  	s4 =	ssub.s32 $0x0, s20;
	[sflag:s22] =	ssyncset.done $0x0  }
0xa0: {  	[sflag:s22] =	ssyncadd.s32 s4;
	_ =	sdelay $0x1  }
0xa1: {  	s23 =	simm.s32 $0x1B8B  }
0xa2: {  	_ =	swait.ge [sflag:s23], $0x1  }
0xa3: {  	[sflag:s23] =	ssyncset.done $0x0  }
0xa4: {  	s25 =	simm.s32 $0x1B8E;
	s24 =	sld [smem:$0x3FFE];
	[sflag:s23] =	ssyncadd.s32 $0xFFFFFFFF  }
0xa5: {  	s26 =	simm.s32 $execute0_lowered;
	[smem:$0x3FD2] =	sst s25  }
0xa6: {  	s5 =	sshll.u32 s26, $0x1;
	_ =	strace $0x80000046;
	[dreg:$0x1] =	wrdreg $0xFFFFFFFF  }
0xa7: {  	s28 =	simm.s32 $_size_execute0_lowered;
	s3 =	sadd.s32 s3, s5;
	[dreg:$0x0] =	wrdreg $0x0  }
0xa8: {  	s5 =	sshll.u32 s28, $0x1;
	[dreg:$0x2] =	wrdreg s3  }
0xa9: {  	[dreg:$0x3] =	wrdreg s5  }
0xaa: {  	[dreg:$0x4] =	wrdreg $0xC0  }
0xab: {  	_ =	task [dreg:s7], $0x5FFFF  }
0xac: {  	[dreg:$0x1] =	wrdreg $0xFFFFFFFF  }
0xad: {  	[dreg:$0x0] =	wrdreg $0x60  }
0xae: {  	[dreg:$0x2] =	wrdreg s2  }
0xaf: {  	[dreg:$0x3] =	wrdreg s24  }
0xb0: {  	[dreg:$0x4] =	wrdreg $0x9  }
0xb1: {  	_ =	task.clear_ibuf [dreg:s7], $0x5FFFF;
	_ =	strace $0x90000046  }
0xb2: {  	s29 =	simm.s32 $0x9;
	_ =	strace $0x80000048  }
0xb3: {  	_ =	swait.ge [sflag:s29], $0x1  }
0xb4: {  	[sflag:s29] =	ssyncadd.s32 $0xFFFFFFFF  }
0xb5: {  	_ =	strace $0x90000048  }
0xb6: {  	_ =	sfence  }
0xb7: {  	s30 =	sld [smem:$0x0];
	_ =	sdelay $0x2  }
0xb8: {  	s31 =	sshll.u32 s1, $0xD;
	s1 =	sshrl.u32 s1, $0x2  }
0xb9: {  	s3 =	sand.u32 $0x4000, s31;
	s1 =	sadd.s32 s1, s30  }
0xba: {  	s0 =	sor.u32 s3, s0;
	s1 =	sshll.u32 s1, $0x11  }
0xbb: {  	s0 =	sor.u32 s1, s0  }
0xbc: {  	s0 =	sadd.s32 $0x8F2B, s0  }
0xbd: {  	[sflag:s0] =	ssyncadd.remote.s32 $0x1  }
0xbe: {  	_ =	sfence.sel $0xFFFF  }
0xbf: {  	[dreg:$0x0] =	wrdreg $0xFFFFFFFF;
	(pc) =	sbr.abs _section_cstart, $3  }
0xc0: {  	[dreg:$0x1] =	wrdreg $0xFFFFFFFF  }
0xc1: {  	_ =	task.clear_ibuf [dreg:s7], $0x2FFFF;
	_ =	strace $0x9FFFFFFF  }
0xc2: {  	(tm) =	ssettm $0x7FFFFFFF  }
0xc3: {  	_ =	shalt  }
tec
execute0_lowered:
.L_overlay_start_1:
0x0: {  	(tag) =	ssettag $0x1  }
0x1: {  	s0 =	srdreg.scid  }
0x2: {  	s7 =	stileid.u32;
	s1 =	rddreg [dreg:$0x0];
	s0 =	sand.u32 $0x1, s0  }
0x3: {  	s4 =	rddreg [dreg:$0x1];
	s2 =	sor.u32 s0, s7  }
0x4: {  	p1 =	seq.s32 s0, $0x1;
	s5 =	ssub.s32 $0x2, s0;
	s10 =	sshll.u32 s0, $0x13  }
0x5: {  	s0 =	sshll.u32 s0, $0x9;
	p0 =	seq.s32 s2, $0x0;
	s2 =	simm.s32 $0x0  }
0x6: {  	s14 =	sxor.u32 $0x13C0, s0;
	[smem:$0x7FF] =	sst s2  }
0x7: {  	s15 =	sxor.u32 $0x13A0, s0;
	_ =	strace $0x80000047;
	[dreg:$0x5] =	wrdreg s14  }
0x8: {  	s16 =	sxor.u32 $0x1380, s0;
	[dreg:$0x6] =	wrdreg s15  }
0x9: {  	s17 =	sxor.u32 $0x1360, s0;
	[dreg:$0x7] =	wrdreg s16  }
0xa: {  	s3 =	simm.s32 $0x1;
	s18 =	sxor.u32 $0x1340, s0;
	[dreg:$0x8] =	wrdreg s17  }
0xb: {  	s6 =	sshrl.u32 s5, $0x1;
	s19 =	sxor.u32 $0x1320, s0;
	[dreg:$0x9] =	wrdreg s18  }
0xc: {  	s13 =	sxor.u32 $0x3E0, s0;
	s20 =	sxor.u32 $0x1300, s0;
	[dreg:$0xa] =	wrdreg s19  }
0xd: {  	s21 =	sxor.u32 $0x12E0, s0;
	s22 =	sxor.u32 $0x12C0, s0;
	[dreg:$0xb] =	wrdreg s20  }
0xe: {  	s23 =	sxor.u32 $0x12A0, s0;
	s24 =	sxor.u32 $0x1280, s0;
	[dreg:$0xc] =	wrdreg s21  }
0xf: {  	s25 =	sxor.u32 $0x1260, s0;
	p0 =	por !p0, !p1;
	[dreg:$0xd] =	wrdreg s22  }
0x10: {  	s9 =	ssub.s32 s5, s6;
	p0 =	por !p0, !p0;
	[dreg:$0xe] =	wrdreg s23  }
0x11: {  	s6 =	sxor.u32 $0x200, s0;
	[dreg:$0xf] =	wrdreg s24;
	s3 =	simm.s32 @!p0 $0x0  }
0x12: {  	[dreg:$0x10] =	wrdreg s25;
	s22 =	sxor.u32 $0x1240, s0;
	s7 =	ssub.s32 s7, s3  }
0x13: {  	s23 =	sxor.u32 $0x1220, s0;
	s11 =	sshll.u32 s7, $0x14;
	s7 =	sshll.u32 s7, $0x9  }
0x14: {  	s24 =	sxor.u32 $0x1200, s0;
	s26 =	smax.u32 s9, $0x1;
	s12 =	sand.u32 $0x1FFFFE00, s7  }
0x15: {  	[dreg:$0x11] =	wrdreg s26;
	s5 =	sor.u32 s10, s11;
	s1 =	sadd.s32 s1, s12  }
0x16: {  	s3 =	simm.s32 $0x1;
	s5 =	sshrl.u32 s5, $0x3;
	[dreg:$0x3] =	wrdreg s1  }
0x17: {  	s5 =	sadd.s32 s4, s5;
	s1 =	sor.u32 $0x1000, s13;
	s13 =	sor.u32 $0x1000, s6  }
0x18: {  	[dreg:$0x4] =	wrdreg s1;
	s8 =	sadd.s32 $0x1000, s5;
	s10 =	sadd.s32 $0x2000, s5  }
0x19: {  	s26 =	sadd.s32 $0x3000, s5;
	s28 =	sadd.s32 $0x4000, s5;
	s29 =	sadd.s32 $0x5000, s5  }
0x1a: {  	s30 =	sadd.s32 $0x6000, s5;
	s31 =	sadd.s32 $0x7000, s5;
	s1 =	sadd.s32 $0x8000, s5  }
0x1b: {  	s0 =	sadd.s32 $0x9000, s5;
	s4 =	sadd.s32 $0xA000, s5;
	s25 =	sadd.s32 $0xB000, s5  }
0x1c: {  	s7 =	sadd.s32 $0xC000, s5;
	s9 =	sadd.s32 $0xD000, s5;
	s11 =	sadd.s32 $0xE000, s5  }
0x1d: {  	v0 =	vlaneseq.u32;
	v1 =	vimm.s32 $0x0;
	s12 =	sadd.s32 $0xF000, s5;
	[dreg:$0x12] =	wrdreg s13;
	s13 =	simm.s32 $0x0  }
.LBB2_1:
0x1e: {  	s14 =	rddreg [dreg:$0x3];
	s21 =	simm.s32 $0x2  }
0x1f: {  	[tilespmem:s2], [sflag:$0x2] =	stream.linear.gather [hbm4b:s14+s2], $0x1000, $0x38;
	[tilespmem:$0x10C00] =	vst v63  }
0x20: {  	_ =	swait.ge [sflag:s21], $0x1000  }
0x21: {  	[sflag:s21] =	ssyncset.done $0x0  }
0x22: {  	s15 =	simm.s32 $0x0;
	s14 =	rddreg [dreg:$0x12];
	[sflag:s21] =	ssyncadd.s32 $0xFFFFF000  }
.LBB2_2:
0x23: {  	v2 =	vor.u32 s6, v0  }
0x24: {  	v3 =	vmov s6;
	v4 =	vand.u32 $0x1F, v2  }
0x25: {  	s16 =	sadd.s32 $0x1F, s15;
	vm0 =	veq.s32 v3, v0;
	vm1 =	vne.s32 v4, $0x0  }
0x26: {  	v2 =	vmov s16;
	vm0 =	vmand vm0, vm1  }
0x27: {  	v3 =	vshrl.u32 v3, $0x5;
	v2 =	vadd.s32 $0xF42, v2;
	v5 =	vsel vm0, $0x1, v1  }
0x28: {  	s21 =	sadd.s32 $0x10, s6;
	v2 =	vbroadcast v2, $0x0;
	v3 =	vsub.s32 v5, v3  }
0x29: {  	v5 =	vor.u32 s21, v0;
	v3 =	vmul.u32 $0x3F, v3  }
0x2a: {  	v6 =	vmov s21;
	v4 =	vsub.s32 v2, v4;
	v7 =	vand.u32 $0x1F, v5  }
0x2b: {  	vm14 =	veq.s32 v6, v0;
	vm15 =	vne.s32 v7, $0x0;
	v4 =	vadd.s32 v3, v4  }
0x2c: {  	vm0 =	vmand vm14, vm15  }
0x2d: {  	v5 =	vshrl.u32 v6, $0x5;
	v6 =	vsel vm0, $0x1, v1  }
0x2e: {  	v5 =	vsub.s32 v6, v5  }
0x2f: {  	s18 =	simm.s32 $0x0;
	s19 =	sadd.s32 $0x10, s21;
	v5 =	vmul.u32 $0x3F, v5  }
0x30: {  	s17 =	simm.s32 $0x80;
	s20 =	simm.s32 $0xC0;
	s16 =	simm.s32 $0x40;
	v7 =	vsub.s32 v2, v7;
	v3 =	vmov s14;
	v6 =	vor.u32 s19, v0;
	v4 =	vld.idx.msk [tilespmem:v4+s2+$0x0], $0xffff  }
.LBB2_3:
0x31: {  	p0 =	sne.s32 s20, $0x1740;
	v8 =	vmov s19;
	v9 =	vand.u32 $0x1F, v6;
	v6 =	vadd.s32 v5, v7  }
0x32: {  	vm0 =	veq.s32 v8, v0;
	vm1 =	vne.s32 v9, $0x0  }
.Ltmp0:
0x33: {  	vm0 =	vmand vm0, vm1;
	(pc) =	sbr.rel @p0 .LBB2_3-.Ltmp0, $4  }
0x34: {  	s21 =	sshra.s32 s18, $0x2;
	s18 =	smov.u32 s16;
	s16 =	smov.u32 s17;
	v5 =	vshrl.u32 v8, $0x5;
	v7 =	vsel vm0, $0x1, v1  }
0x35: {  	s17 =	smov.u32 s20;
	v5 =	vsub.s32 v7, v5;
	[tilespmem:v3+s21+$0x0 ss:$0x1] =	vst.idx.msk $0xffff, v4  }
0x36: {  	s19 =	sadd.s32 $0x10, s19;
	v5 =	vmul.u32 $0x3F, v5;
	v4 =	vld.idx.msk [tilespmem:v6+s2+$0x0], $0xffff  }
0x37: {  	s20 =	sadd.s32 $0x40, s20;
	v7 =	vsub.s32 v2, v9;
	v6 =	vor.u32 s19, v0  }
0x38: {  	v8 =	vmov s19;
	v6 =	vand.u32 $0x1F, v6  }
0x39: {  	v5 =	vadd.s32 v5, v7;
	vm0 =	veq.s32 v8, v0;
	vm1 =	vne.s32 v6, $0x0  }
0x3a: {  	vm0 =	vmand vm0, vm1  }
0x3b: {  	v61 =	vshrl.u32 v8, $0x5;
	v62 =	vsel vm0, $0x1, v1  }
0x3c: {  	s18 =	sshra.s32 s18, $0x2;
	v7 =	vsub.s32 v62, v61  }
0x3d: {  	[tilespmem:v3+s18+$0x0 ss:$0x1] =	vst.idx.msk $0xffff, v4;
	v63 =	vmul.u32 $0x3F, v7  }
0x3e: {  	v2 =	vsub.s32 v2, v6;
	v5 =	vld.idx.msk [tilespmem:v5+s2+$0x0], $0xffff  }
0x3f: {  	v2 =	vadd.s32 v63, v2;
	_ =	sdelay $0x2  }
0x40: {  	s16 =	sshra.s32 s16, $0x2  }
0x41: {  	s15 =	sadd.s32 $0x1, s15;
	[tilespmem:v3+s16+$0x0 ss:$0x1] =	vst.idx.msk $0xffff, v5  }
0x42: {  	p0 =	sne.s32 s15, $0x20;
	v2 =	vld.idx.msk [tilespmem:v2+s2+$0x0], $0xffff  }
.Ltmp1:
0x43: {  	_ = 	snop;
	(pc) =	sbr.rel @p0 .LBB2_2-.Ltmp1, $3  }
0x44: {  	_ =	sdelay $0x1  }
0x45: {  	s21 =	sshra.s32 s17, $0x2  }
0x46: {  	s14 =	sadd.s32 $0x7E0, s14;
	[tilespmem:v3+s21+$0x0 ss:$0x1] =	vst.idx.msk $0xffff, v2  }
0x47: {  	s16 =	rddreg [dreg:$0x4]  }
0x48: {  	s14 =	simm.s32 $0x80;
	s17 =	sadd.s32 $0x0, s5;
	s15 =	sadd.s32 $0x7E0, s16  }
.LBB2_6:
0x49: {  	[hbm4b:s17+s2] =	stream.linear.scatter [tilespmem:s16], [sflag:$0x1], $0x400, $0x38;
	[tilespmem:$0x10C00] =	vst v63  }
0x4a: {  	s17 =	smov.u32 s14;
	s16 =	smov.u32 s15;
	p0 =	sne.s32 s14, $0xF80  }
.Ltmp2:
0x4b: {  	s14 =	sadd.s32 $0x80, s14;
	(pc) =	sbr.rel @p0 .LBB2_6-.Ltmp2, $2  }
0x4c: {  	_ =	sdelay $0x2  }
0x4d: {  	s15 =	sadd.s32 $0x7E0, s15;
	s17 =	sadd.s32 s17, s5  }
0x4e: {  	[hbm4b:s17+s2] =	stream.linear.scatter [tilespmem:s16], [sflag:$0x1], $0x400, $0x38;
	[tilespmem:$0x10C00] =	vst v63  }
0x4f: {  	s16 =	rddreg [dreg:$0x5]  }
0x50: {  	s14 =	simm.s32 $0x80;
	s17 =	sadd.s32 $0x0, s8;
	s15 =	sadd.s32 $0x7E0, s16  }
.LBB2_8:
0x51: {  	[hbm4b:s17+s2] =	stream.linear.scatter [tilespmem:s16], [sflag:$0x1], $0x400, $0x38;
	[tilespmem:$0x10C00] =	vst v63  }
0x52: {  	s17 =	smov.u32 s14;
	s16 =	smov.u32 s15;
	p0 =	sne.s32 s14, $0xF80  }
.Ltmp3:
0x53: {  	s14 =	sadd.s32 $0x80, s14;
	(pc) =	sbr.rel @p0 .LBB2_8-.Ltmp3, $2  }
0x54: {  	_ =	sdelay $0x2  }
0x55: {  	s15 =	sadd.s32 $0x7E0, s15;
	s17 =	sadd.s32 s17, s8  }
0x56: {  	[hbm4b:s17+s2] =	stream.linear.scatter [tilespmem:s16], [sflag:$0x1], $0x400, $0x38;
	[tilespmem:$0x10C00] =	vst v63  }
0x57: {  	s16 =	rddreg [dreg:$0x6]  }
0x58: {  	s14 =	simm.s32 $0x80;
	s17 =	sadd.s32 $0x0, s10;
	s15 =	sadd.s32 $0x7E0, s16  }
.LBB2_10:
0x59: {  	[hbm4b:s17+s2] =	stream.linear.scatter [tilespmem:s16], [sflag:$0x1], $0x400, $0x38;
	[tilespmem:$0x10C00] =	vst v63  }
0x5a: {  	s17 =	smov.u32 s14;
	s16 =	smov.u32 s15;
	p0 =	sne.s32 s14, $0xF80  }
.Ltmp4:
0x5b: {  	s14 =	sadd.s32 $0x80, s14;
	(pc) =	sbr.rel @p0 .LBB2_10-.Ltmp4, $2  }
0x5c: {  	_ =	sdelay $0x2  }
0x5d: {  	s15 =	sadd.s32 $0x7E0, s15;
	s17 =	sadd.s32 s17, s10  }
0x5e: {  	[hbm4b:s17+s2] =	stream.linear.scatter [tilespmem:s16], [sflag:$0x1], $0x400, $0x38;
	[tilespmem:$0x10C00] =	vst v63  }
0x5f: {  	s16 =	rddreg [dreg:$0x7]  }
0x60: {  	s14 =	simm.s32 $0x80;
	s17 =	sadd.s32 $0x0, s26;
	s15 =	sadd.s32 $0x7E0, s16  }
.LBB2_12:
0x61: {  	[hbm4b:s17+s2] =	stream.linear.scatter [tilespmem:s16], [sflag:$0x1], $0x400, $0x38;
	[tilespmem:$0x10C00] =	vst v63  }
0x62: {  	s17 =	smov.u32 s14;
	s16 =	smov.u32 s15;
	p0 =	sne.s32 s14, $0xF80  }
.Ltmp5:
0x63: {  	s14 =	sadd.s32 $0x80, s14;
	(pc) =	sbr.rel @p0 .LBB2_12-.Ltmp5, $2  }
0x64: {  	_ =	sdelay $0x2  }
0x65: {  	s15 =	sadd.s32 $0x7E0, s15;
	s17 =	sadd.s32 s17, s26  }
0x66: {  	[hbm4b:s17+s2] =	stream.linear.scatter [tilespmem:s16], [sflag:$0x1], $0x400, $0x38;
	[tilespmem:$0x10C00] =	vst v63  }
0x67: {  	s16 =	rddreg [dreg:$0x8]  }
0x68: {  	s14 =	simm.s32 $0x80;
	s17 =	sadd.s32 $0x0, s28;
	s15 =	sadd.s32 $0x7E0, s16  }
.LBB2_14:
0x69: {  	[hbm4b:s17+s2] =	stream.linear.scatter [tilespmem:s16], [sflag:$0x1], $0x400, $0x38;
	[tilespmem:$0x10C00] =	vst v63  }
0x6a: {  	s17 =	smov.u32 s14;
	s16 =	smov.u32 s15;
	p0 =	sne.s32 s14, $0xF80  }
.Ltmp6:
0x6b: {  	s14 =	sadd.s32 $0x80, s14;
	(pc) =	sbr.rel @p0 .LBB2_14-.Ltmp6, $2  }
0x6c: {  	_ =	sdelay $0x2  }
0x6d: {  	s15 =	sadd.s32 $0x7E0, s15;
	s17 =	sadd.s32 s17, s28  }
0x6e: {  	[hbm4b:s17+s2] =	stream.linear.scatter [tilespmem:s16], [sflag:$0x1], $0x400, $0x38;
	[tilespmem:$0x10C00] =	vst v63  }
0x6f: {  	s16 =	rddreg [dreg:$0x9]  }
0x70: {  	s14 =	simm.s32 $0x80;
	s17 =	sadd.s32 $0x0, s29;
	s15 =	sadd.s32 $0x7E0, s16  }
.LBB2_16:
0x71: {  	[hbm4b:s17+s2] =	stream.linear.scatter [tilespmem:s16], [sflag:$0x1], $0x400, $0x38;
	[tilespmem:$0x10C00] =	vst v63  }
0x72: {  	s17 =	smov.u32 s14;
	s16 =	smov.u32 s15;
	p0 =	sne.s32 s14, $0xF80  }
.Ltmp7:
0x73: {  	s14 =	sadd.s32 $0x80, s14;
	(pc) =	sbr.rel @p0 .LBB2_16-.Ltmp7, $2  }
0x74: {  	_ =	sdelay $0x2  }
0x75: {  	s15 =	sadd.s32 $0x7E0, s15;
	s17 =	sadd.s32 s17, s29  }
0x76: {  	[hbm4b:s17+s2] =	stream.linear.scatter [tilespmem:s16], [sflag:$0x1], $0x400, $0x38;
	[tilespmem:$0x10C00] =	vst v63  }
0x77: {  	s16 =	rddreg [dreg:$0xa]  }
0x78: {  	s14 =	simm.s32 $0x80;
	s17 =	sadd.s32 $0x0, s30;
	s15 =	sadd.s32 $0x7E0, s16  }
.LBB2_18:
0x79: {  	[hbm4b:s17+s2] =	stream.linear.scatter [tilespmem:s16], [sflag:$0x1], $0x400, $0x38;
	[tilespmem:$0x10C00] =	vst v63  }
0x7a: {  	s17 =	smov.u32 s14;
	s16 =	smov.u32 s15;
	p0 =	sne.s32 s14, $0xF80  }
.Ltmp8:
0x7b: {  	s14 =	sadd.s32 $0x80, s14;
	(pc) =	sbr.rel @p0 .LBB2_18-.Ltmp8, $2  }
0x7c: {  	_ =	sdelay $0x2  }
0x7d: {  	s15 =	sadd.s32 $0x7E0, s15;
	s17 =	sadd.s32 s17, s30  }
0x7e: {  	[hbm4b:s17+s2] =	stream.linear.scatter [tilespmem:s16], [sflag:$0x1], $0x400, $0x38;
	[tilespmem:$0x10C00] =	vst v63  }
0x7f: {  	s16 =	rddreg [dreg:$0xb]  }
0x80: {  	s14 =	simm.s32 $0x80;
	s17 =	sadd.s32 $0x0, s31;
	s15 =	sadd.s32 $0x7E0, s16  }
.LBB2_20:
0x81: {  	[hbm4b:s17+s2] =	stream.linear.scatter [tilespmem:s16], [sflag:$0x1], $0x400, $0x38;
	[tilespmem:$0x10C00] =	vst v63  }
0x82: {  	s17 =	smov.u32 s14;
	s16 =	smov.u32 s15;
	p0 =	sne.s32 s14, $0xF80  }
.Ltmp9:
0x83: {  	s14 =	sadd.s32 $0x80, s14;
	(pc) =	sbr.rel @p0 .LBB2_20-.Ltmp9, $2  }
0x84: {  	_ =	sdelay $0x2  }
0x85: {  	s15 =	sadd.s32 $0x7E0, s15;
	s17 =	sadd.s32 s17, s31  }
0x86: {  	[hbm4b:s17+s2] =	stream.linear.scatter [tilespmem:s16], [sflag:$0x1], $0x400, $0x38;
	[tilespmem:$0x10C00] =	vst v63  }
0x87: {  	s16 =	rddreg [dreg:$0xc]  }
0x88: {  	s14 =	simm.s32 $0x80;
	s17 =	sadd.s32 $0x0, s1;
	s15 =	sadd.s32 $0x7E0, s16  }
.LBB2_22:
0x89: {  	[hbm4b:s17+s2] =	stream.linear.scatter [tilespmem:s16], [sflag:$0x1], $0x400, $0x38;
	[tilespmem:$0x10C00] =	vst v63  }
0x8a: {  	s17 =	smov.u32 s14;
	s16 =	smov.u32 s15;
	p0 =	sne.s32 s14, $0xF80  }
.Ltmp10:
0x8b: {  	s14 =	sadd.s32 $0x80, s14;
	(pc) =	sbr.rel @p0 .LBB2_22-.Ltmp10, $2  }
0x8c: {  	_ =	sdelay $0x2  }
0x8d: {  	s15 =	sadd.s32 $0x7E0, s15;
	s17 =	sadd.s32 s17, s1  }
0x8e: {  	[hbm4b:s17+s2] =	stream.linear.scatter [tilespmem:s16], [sflag:$0x1], $0x400, $0x38;
	[tilespmem:$0x10C00] =	vst v63  }
0x8f: {  	s16 =	rddreg [dreg:$0xd]  }
0x90: {  	s14 =	simm.s32 $0x80;
	s17 =	sadd.s32 $0x0, s0;
	s15 =	sadd.s32 $0x7E0, s16  }
.LBB2_24:
0x91: {  	[hbm4b:s17+s2] =	stream.linear.scatter [tilespmem:s16], [sflag:$0x1], $0x400, $0x38;
	[tilespmem:$0x10C00] =	vst v63  }
0x92: {  	s17 =	smov.u32 s14;
	s16 =	smov.u32 s15;
	p0 =	sne.s32 s14, $0xF80  }
.Ltmp11:
0x93: {  	s14 =	sadd.s32 $0x80, s14;
	(pc) =	sbr.rel @p0 .LBB2_24-.Ltmp11, $2  }
0x94: {  	_ =	sdelay $0x2  }
0x95: {  	s15 =	sadd.s32 $0x7E0, s15;
	s17 =	sadd.s32 s17, s0  }
0x96: {  	[hbm4b:s17+s2] =	stream.linear.scatter [tilespmem:s16], [sflag:$0x1], $0x400, $0x38;
	[tilespmem:$0x10C00] =	vst v63  }
0x97: {  	s16 =	rddreg [dreg:$0xe]  }
0x98: {  	s14 =	simm.s32 $0x80;
	s17 =	sadd.s32 $0x0, s4;
	s15 =	sadd.s32 $0x7E0, s16  }
.LBB2_26:
0x99: {  	[hbm4b:s17+s2] =	stream.linear.scatter [tilespmem:s16], [sflag:$0x1], $0x400, $0x38;
	[tilespmem:$0x10C00] =	vst v63  }
0x9a: {  	s17 =	smov.u32 s14;
	s16 =	smov.u32 s15;
	p0 =	sne.s32 s14, $0xF80  }
.Ltmp12:
0x9b: {  	s14 =	sadd.s32 $0x80, s14;
	(pc) =	sbr.rel @p0 .LBB2_26-.Ltmp12, $2  }
0x9c: {  	_ =	sdelay $0x2  }
0x9d: {  	s15 =	sadd.s32 $0x7E0, s15;
	s17 =	sadd.s32 s17, s4  }
0x9e: {  	[hbm4b:s17+s2] =	stream.linear.scatter [tilespmem:s16], [sflag:$0x1], $0x400, $0x38;
	[tilespmem:$0x10C00] =	vst v63  }
0x9f: {  	s16 =	rddreg [dreg:$0xf]  }
0xa0: {  	s14 =	simm.s32 $0x80;
	s17 =	sadd.s32 $0x0, s25;
	s15 =	sadd.s32 $0x7E0, s16  }
.LBB2_28:
0xa1: {  	[hbm4b:s17+s2] =	stream.linear.scatter [tilespmem:s16], [sflag:$0x1], $0x400, $0x38;
	[tilespmem:$0x10C00] =	vst v63  }
0xa2: {  	s17 =	smov.u32 s14;
	s16 =	smov.u32 s15;
	p0 =	sne.s32 s14, $0xF80  }
.Ltmp13:
0xa3: {  	s14 =	sadd.s32 $0x80, s14;
	(pc) =	sbr.rel @p0 .LBB2_28-.Ltmp13, $2  }
0xa4: {  	_ =	sdelay $0x2  }
0xa5: {  	s15 =	sadd.s32 $0x7E0, s15;
	s17 =	sadd.s32 s17, s25  }
0xa6: {  	[hbm4b:s17+s2] =	stream.linear.scatter [tilespmem:s16], [sflag:$0x1], $0x400, $0x38;
	[tilespmem:$0x10C00] =	vst v63  }
0xa7: {  	s16 =	rddreg [dreg:$0x10]  }
0xa8: {  	s14 =	simm.s32 $0x80;
	s17 =	sadd.s32 $0x0, s7;
	s15 =	sadd.s32 $0x7E0, s16  }
.LBB2_30:
0xa9: {  	[hbm4b:s17+s2] =	stream.linear.scatter [tilespmem:s16], [sflag:$0x1], $0x400, $0x38;
	[tilespmem:$0x10C00] =	vst v63  }
0xaa: {  	s17 =	smov.u32 s14;
	s16 =	smov.u32 s15;
	p0 =	sne.s32 s14, $0xF80  }
.Ltmp14:
0xab: {  	s14 =	sadd.s32 $0x80, s14;
	(pc) =	sbr.rel @p0 .LBB2_30-.Ltmp14, $2  }
0xac: {  	_ =	sdelay $0x2  }
0xad: {  	s15 =	sadd.s32 $0x7E0, s15;
	s17 =	sadd.s32 s17, s7  }
0xae: {  	[hbm4b:s17+s2] =	stream.linear.scatter [tilespmem:s16], [sflag:$0x1], $0x400, $0x38;
	[tilespmem:$0x10C00] =	vst v63  }
0xaf: {  	s14 =	simm.s32 $0x80  }
0xb0: {  	s17 =	sadd.s32 $0x0, s9;
	s15 =	sadd.s32 $0x7E0, s22;
	s16 =	smov.u32 s22  }
.LBB2_32:
0xb1: {  	[hbm4b:s17+s2] =	stream.linear.scatter [tilespmem:s16], [sflag:$0x1], $0x400, $0x38;
	[tilespmem:$0x10C00] =	vst v63  }
0xb2: {  	s17 =	smov.u32 s14;
	s16 =	smov.u32 s15;
	p0 =	sne.s32 s14, $0xF80  }
.Ltmp15:
0xb3: {  	s14 =	sadd.s32 $0x80, s14;
	(pc) =	sbr.rel @p0 .LBB2_32-.Ltmp15, $2  }
0xb4: {  	_ =	sdelay $0x2  }
0xb5: {  	s15 =	sadd.s32 $0x7E0, s15;
	s17 =	sadd.s32 s17, s9  }
0xb6: {  	[hbm4b:s17+s2] =	stream.linear.scatter [tilespmem:s16], [sflag:$0x1], $0x400, $0x38;
	[tilespmem:$0x10C00] =	vst v63  }
0xb7: {  	s14 =	simm.s32 $0x80  }
0xb8: {  	s17 =	sadd.s32 $0x0, s11;
	s15 =	sadd.s32 $0x7E0, s23;
	s16 =	smov.u32 s23  }
.LBB2_34:
0xb9: {  	[hbm4b:s17+s2] =	stream.linear.scatter [tilespmem:s16], [sflag:$0x1], $0x400, $0x38;
	[tilespmem:$0x10C00] =	vst v63  }
0xba: {  	s17 =	smov.u32 s14;
	s16 =	smov.u32 s15;
	p0 =	sne.s32 s14, $0xF80  }
.Ltmp16:
0xbb: {  	s14 =	sadd.s32 $0x80, s14;
	(pc) =	sbr.rel @p0 .LBB2_34-.Ltmp16, $2  }
0xbc: {  	_ =	sdelay $0x2  }
0xbd: {  	s15 =	sadd.s32 $0x7E0, s15;
	s17 =	sadd.s32 s17, s11  }
0xbe: {  	[hbm4b:s17+s2] =	stream.linear.scatter [tilespmem:s16], [sflag:$0x1], $0x400, $0x38;
	[tilespmem:$0x10C00] =	vst v63  }
0xbf: {  	s14 =	simm.s32 $0x80  }
0xc0: {  	s17 =	sadd.s32 $0x0, s12;
	s15 =	sadd.s32 $0x7E0, s24;
	s16 =	smov.u32 s24  }
.LBB2_36:
0xc1: {  	[hbm4b:s17+s2] =	stream.linear.scatter [tilespmem:s16], [sflag:$0x1], $0x400, $0x38;
	[tilespmem:$0x10C00] =	vst v63  }
0xc2: {  	s17 =	smov.u32 s14;
	s16 =	smov.u32 s15;
	p0 =	sne.s32 s14, $0xF80  }
.Ltmp17:
0xc3: {  	s14 =	sadd.s32 $0x80, s14;
	(pc) =	sbr.rel @p0 .LBB2_36-.Ltmp17, $2  }
0xc4: {  	_ =	sdelay $0x2  }
0xc5: {  	s15 =	sadd.s32 $0x7E0, s15;
	s17 =	sadd.s32 s17, s12  }
0xc6: {  	[hbm4b:s17+s2] =	stream.linear.scatter [tilespmem:s16], [sflag:$0x1], $0x400, $0x38;
	[tilespmem:$0x10C00] =	vst v63  }
0xc7: {  	_ =	swait.ge [sflag:s3], $0x8000  }
0xc8: {  	[sflag:s3] =	ssyncset.done $0x0  }
0xc9: {  	[sflag:s3] =	ssyncadd.s32 $0xFFFF8000  }
0xca: {  	_ =	swait.ge [sflag:s3], $0x8000  }
0xcb: {  	[sflag:s3] =	ssyncset.done $0x0  }
0xcc: {  	[sflag:s3] =	ssyncadd.s32 $0xFFFF8000  }
0xcd: {  	_ =	swait.ge [sflag:s3], $0x8000  }
0xce: {  	[sflag:s3] =	ssyncset.done $0x0  }
0xcf: {  	[sflag:s3] =	ssyncadd.s32 $0xFFFF8000  }
0xd0: {  	_ =	swait.ge [sflag:s3], $0x8000  }
0xd1: {  	[sflag:s3] =	ssyncset.done $0x0  }
0xd2: {  	[sflag:s3] =	ssyncadd.s32 $0xFFFF8000  }
0xd3: {  	_ =	swait.ge [sflag:s3], $0x8000  }
0xd4: {  	[sflag:s3] =	ssyncset.done $0x0  }
0xd5: {  	[sflag:s3] =	ssyncadd.s32 $0xFFFF8000  }
0xd6: {  	_ =	swait.ge [sflag:s3], $0x8000  }
0xd7: {  	[sflag:s3] =	ssyncset.done $0x0  }
0xd8: {  	[sflag:s3] =	ssyncadd.s32 $0xFFFF8000  }
0xd9: {  	_ =	swait.ge [sflag:s3], $0x8000  }
0xda: {  	[sflag:s3] =	ssyncset.done $0x0  }
0xdb: {  	[sflag:s3] =	ssyncadd.s32 $0xFFFF8000  }
0xdc: {  	_ =	swait.ge [sflag:s3], $0x8000  }
0xdd: {  	[sflag:s3] =	ssyncset.done $0x0  }
0xde: {  	[sflag:s3] =	ssyncadd.s32 $0xFFFF8000  }
0xdf: {  	_ =	swait.ge [sflag:s3], $0x8000  }
0xe0: {  	[sflag:s3] =	ssyncset.done $0x0  }
0xe1: {  	[sflag:s3] =	ssyncadd.s32 $0xFFFF8000  }
0xe2: {  	_ =	swait.ge [sflag:s3], $0x8000  }
0xe3: {  	[sflag:s3] =	ssyncset.done $0x0  }
0xe4: {  	[sflag:s3] =	ssyncadd.s32 $0xFFFF8000  }
0xe5: {  	_ =	swait.ge [sflag:s3], $0x8000  }
0xe6: {  	[sflag:s3] =	ssyncset.done $0x0  }
0xe7: {  	[sflag:s3] =	ssyncadd.s32 $0xFFFF8000  }
0xe8: {  	_ =	swait.ge [sflag:s3], $0x8000  }
0xe9: {  	[sflag:s3] =	ssyncset.done $0x0  }
0xea: {  	[sflag:s3] =	ssyncadd.s32 $0xFFFF8000  }
0xeb: {  	_ =	swait.ge [sflag:s3], $0x8000  }
0xec: {  	[sflag:s3] =	ssyncset.done $0x0  }
0xed: {  	[sflag:s3] =	ssyncadd.s32 $0xFFFF8000  }
0xee: {  	_ =	swait.ge [sflag:s3], $0x8000  }
0xef: {  	[sflag:s3] =	ssyncset.done $0x0  }
0xf0: {  	[sflag:s3] =	ssyncadd.s32 $0xFFFF8000  }
0xf1: {  	_ =	swait.ge [sflag:s3], $0x8000  }
0xf2: {  	[sflag:s3] =	ssyncset.done $0x0  }
0xf3: {  	[sflag:s3] =	ssyncadd.s32 $0xFFFF8000  }
0xf4: {  	_ =	swait.ge [sflag:s3], $0x8000  }
0xf5: {  	s13 =	sadd.s32 $0x1, s13;
	s14 =	rddreg [dreg:$0x11]  }
0xf6: {  	p0 =	sne.s32 s13, s14  }
.Ltmp18:
0xf7: {  	_ = 	snop;
	(pc) =	sbr.rel @p0 .LBB2_1-.Ltmp18, $3  }
0xf8: {  	_ =	sdelay $0x1  }
0xf9: {  	[sflag:s3] =	ssyncset.done $0x0  }
0xfa: {  	[sflag:s3] =	ssyncadd.s32 $0xFFFF8000  }
0xfb: {  	_ =	sfence.sel $0x180000  }
0xfc: {  	[bflag:$0x0] =	sbarrier.arrive $0xFFFF  }
0xfd: {  	_ =	strace $0x90000047  }
0xfe: {  	s0 =	stileid.u32;
	[bflag:$0x2] =	sbarrier.arrive $0xFFFF  }
0xff: {  	p0 =	sne.s32 s0, $0x0;
	s0 =	rddreg [dreg:$0x2]  }
0x100: {  	s0 =	sadd.s32 @!p0 $0x100000, s0  }
0x101: {  	[sflag:s0] =	ssyncadd.tile.s32 @!p0 $0x1;
	_ =	shalt  }
.Lfunc_end2:
_tile_overlayer_lowered:
.L_overlay_start_2:
0x102: {  	(tag) =	ssettag $0x2  }
0x103: {  	s0 =	rddreg [dreg:$0x0];
	s2 =	stileid.u32  }
0x104: {  	s1 =	rddreg [dreg:$0x1];
	p0 =	sne.s32 s2, $0x0  }
0x105: {  	s3 =	rddreg [dreg:$0x2];
	[bflag:$0x3] =	sbarrier.arrive $0xFFFF;
	s2 =	simm.s32 @!p0 $0x1C02  }
0x106: {  	[timem:s3], [sflag:s2] =	dma.local @!p0 [hbm:s0], s1  }
0x107: {  	s0 =	simm.s32 @!p0 $0x2  }
0x108: {  	_ =	swait.ge @!p0 [sflag:s0], s1  }
0x109: {  	s1 =	ssub.s32 @!p0 $0x0, s1;
	[sflag:s0] =	ssyncset.done @!p0 $0x0  }
0x10a: {  	[sflag:s0] =	ssyncadd.s32 @!p0 s1  }
0x10b: {  	[bflag:$0x3] =	sbarrier.arrive $0xFFFF  }
0x10c: {  	_ =	shalt  }

</sc_bundles>
